<compile_context>
chip_gen: v7x
topology: tpu7x:2x2x1
jax: 0.10.2.dev20260603
libtpu: 0.0.44.dev20260713+nightly
codegen_flags: <defaults>
</compile_context>

<pallas_src>
import functools

import jax
import jax.numpy as jnp
from jax import lax
from jax.experimental import pallas as pl
from jax.experimental.pallas import tpu as pltpu
from jax.experimental.pallas import tpu_sc as plsc

_N = 10000
_D = 128
_NC = 2
_NS = 16
_NW = _NC * _NS
_EBLK = 128
_NP = 10112
_RPT = _NP // _NS
_LP = 64


def _edge_layer_body(e_hbm, cols_hbm, rows_hbm, vals_hbm, out_hbm,
                     acc, colv, rowv, valv, msg, gsem, ssem, *, nblk):
    c = lax.axis_index("c")
    s = lax.axis_index("s")
    wid = s * _NC + c

    z16 = jnp.zeros((16,), jnp.float32)

    def _zrow(i, carry):
        for h in range(8):
            msg[i, pl.ds(16 * h, 16)] = z16
        return carry

    lax.fori_loop(0, _EBLK, _zrow, 0)
    for off, sz in ((0, 128), (128, 128), (256, 128), (384, 128), (512, 120)):
        pltpu.sync_copy(msg.at[pl.ds(0, sz)],
                        acc.at[pl.ds(s * _RPT + off, sz)])
    plsc.subcore_barrier()

    pltpu.sync_copy(cols_hbm.at[wid], colv)
    pltpu.sync_copy(rows_hbm.at[wid], rowv)
    pltpu.sync_copy(vals_hbm.at[wid], valv)

    def _blk(b, carry):
        pltpu.async_copy(e_hbm.at[colv.at[b]], msg, gsem).wait()

        def _edge(j, fv):
            v = plsc.load_gather(valv, [fv])
            for h in range(8):
                sl = pl.ds(16 * h, 16)
                msg[j, sl] = msg[j, sl] * v
            return fv + 1

        lax.fori_loop(0, _EBLK, _edge,
                      jnp.full((16,), b * _EBLK, jnp.int32), unroll=2)
        pltpu.async_copy(msg, acc.at[rowv.at[b]], ssem, add=True).wait()
        return carry

    lax.fori_loop(0, nblk, _blk, 0)
    plsc.subcore_barrier()
    pltpu.sync_copy(acc.at[pl.ds(s * _RPT, _RPT)],
                    out_hbm.at[c, pl.ds(s * _RPT, _RPT)])


def _edge_layer(e, cols_p, rows_p, vals_p, nblk):
    mesh = plsc.VectorSubcoreMesh(core_axis_name="c", subcore_axis_name="s")
    f = pl.kernel(
        functools.partial(_edge_layer_body, nblk=nblk),
        out_type=jax.ShapeDtypeStruct((_NC, _NP, _D), jnp.float32),
        mesh=mesh,
        compiler_params=pltpu.CompilerParams(needs_layout_passes=False),
        scratch_types=[
            pltpu.VMEM_SHARED((_NP, _D), jnp.float32),
            pltpu.VMEM((nblk, _EBLK), jnp.int32),
            pltpu.VMEM((nblk, _EBLK), jnp.int32),
            pltpu.VMEM((nblk * _EBLK,), jnp.float32),
            pltpu.VMEM((_EBLK, _D), jnp.float32),
            pltpu.SemaphoreType.DMA,
            pltpu.SemaphoreType.DMA,
        ],
    )
    return f(e, cols_p, rows_p, vals_p)


def _relu_combine(p):
    def body(p_ref, o_ref):
        o_ref[...] = jnp.maximum(p_ref[0] + p_ref[1], 0.0)

    return pl.pallas_call(
        body,
        out_shape=jax.ShapeDtypeStruct((_NP, _D), jnp.float32),
        grid=(8,),
        in_specs=[pl.BlockSpec((2, _NP // 8, _D), lambda i: (0, i, 0))],
        out_specs=pl.BlockSpec((_NP // 8, _D), lambda i: (i, 0)),
    )(p)


def _final_mean(p2, e0, e1):
    def body(p_ref, e0_ref, e1_ref, o_ref):
        e2 = jnp.maximum(p_ref[0] + p_ref[1], 0.0)
        o_ref[...] = (e0_ref[...] + e1_ref[...] + e2) * (1.0 / 3.0)

    return pl.pallas_call(
        body,
        out_shape=jax.ShapeDtypeStruct((_NP, _D), jnp.float32),
        grid=(8,),
        in_specs=[
            pl.BlockSpec((2, _NP // 8, _D), lambda i: (0, i, 0)),
            pl.BlockSpec((_NP // 8, _D), lambda i: (i, 0)),
            pl.BlockSpec((_NP // 8, _D), lambda i: (i, 0)),
        ],
        out_specs=pl.BlockSpec((_NP // 8, _D), lambda i: (i, 0)),
    )(p2, e0, e1)


def _patient_body(em_hbm, x_hbm, out_hbm, xv, rowsb, outv, sem, *, ppw):
    c = lax.axis_index("c")
    s = lax.axis_index("s")
    wid = s * _NC + c
    base = wid * ppw
    pltpu.sync_copy(x_hbm.at[pl.ds(base, ppw)], xv)

    def _pat(p, carry):
        pltpu.async_copy(em_hbm.at[xv.at[p]], rowsb, sem).wait()
        cnt = jnp.zeros((16,), jnp.int32)
        for k in range(4):
            xs = xv[p, pl.ds(16 * k, 16)]
            cnt = cnt + plsc.all_reduce_population_count(xs != 0)
        inv = 1.0 / jnp.maximum(cnt.astype(jnp.float32), 1.0)
        for h in range(8):
            sl = pl.ds(16 * h, 16)

            def _rs(r, a):
                return a + rowsb[r, sl]

            acc = lax.fori_loop(0, _LP, _rs, jnp.zeros((16,), jnp.float32),
                                unroll=4)
            outv[p, sl] = acc * inv
        return carry

    lax.fori_loop(0, ppw, _pat, 0)
    pltpu.sync_copy(outv, out_hbm.at[pl.ds(base, ppw)])


def _patient_readout(emf, xp, bpat):
    ppw = bpat // _NW
    mesh = plsc.VectorSubcoreMesh(core_axis_name="c", subcore_axis_name="s")
    f = pl.kernel(
        functools.partial(_patient_body, ppw=ppw),
        out_type=jax.ShapeDtypeStruct((bpat, _D), jnp.float32),
        mesh=mesh,
        compiler_params=pltpu.CompilerParams(needs_layout_passes=False),
        scratch_types=[
            pltpu.VMEM((ppw, _LP), jnp.int32),
            pltpu.VMEM((_LP, _D), jnp.float32),
            pltpu.VMEM((ppw, _D), jnp.float32),
            pltpu.SemaphoreType.DMA,
        ],
    )
    return f(emf, xp)


def kernel(x, adj_indices, adj_values, embedding):
    nnz = adj_values.shape[0]
    nblk = -(-nnz // (_NW * _EBLK))
    pad = _NW * nblk * _EBLK - nnz

    e0 = jnp.pad(embedding[1:], ((0, _NP - _N), (0, 0)))
    rows = jnp.concatenate(
        [adj_indices[0], jnp.zeros((pad,), jnp.int32)]).reshape(_NW, nblk, _EBLK)
    cols = jnp.concatenate(
        [adj_indices[1], jnp.zeros((pad,), jnp.int32)]).reshape(_NW, nblk, _EBLK)
    vals = jnp.concatenate(
        [adj_values, jnp.zeros((pad,), jnp.float32)]).reshape(_NW, nblk * _EBLK)

    p1 = _edge_layer(e0, cols, rows, vals, nblk)
    e1 = _relu_combine(p1)
    p2 = _edge_layer(e1, cols, rows, vals, nblk)
    emean = _final_mean(p2, e0, e1)
    emf = jnp.concatenate([jnp.zeros((1, _D), jnp.float32), emean], axis=0)

    bpat, lcur = x.shape
    xp = jnp.pad(x, ((0, 0), (0, _LP - lcur)))
    return _patient_readout(emf, xp, bpat)

# --- scband reference (transcript-rebuilt; emitter-appended) ---
"""Pipeline reference for scband-hypergraph-layer-13202729467972 (READ-ONLY COPY).

The authoritative reference and input builder live on the scoring server;
editing this copy changes nothing except your own understanding.
"""

import jax, jax.numpy as jnp
import numpy as np

N = 10000      # number of codes (hypergraph nodes)
D = 128        # code_embed_dim
NNZ = 320000   # nonzeros in adj (avg_degree=32)
B = 1024       # batch of patients
L = 50         # codes per patient (padded with 0)
NUM_LAYER = 2


def setup_inputs(seed: int = 0) -> dict:
    key = jax.random.key(seed)
    k1, k2, k3, k4 = jax.random.split(key, 4)
    embedding = jax.random.normal(k1, (N + 1, D), dtype=jnp.float32) * 0.02
    adj_indices = jax.random.randint(k2, (2, NNZ), 0, N, dtype=jnp.int32)
    adj_values = jax.random.uniform(k3, (NNZ,), dtype=jnp.float32)
    x = jax.random.randint(k4, (B, L), 0, N + 1, dtype=jnp.int32)
    return {
        "x": x,
        "adj_indices": adj_indices,
        "adj_values": adj_values,
        "embedding": embedding,
    }


def reference(x, adj_indices, adj_values, embedding):
    # E = embedding[1:, :]  (row 0 is the padding code)
    E = embedding[1:, :]
    final = [E]
    rows = adj_indices[0]
    cols = adj_indices[1]
    for _ in range(NUM_LAYER):
        # torch.sparse.mm(adj, E): gather source rows, scale by values, scatter-add to dst
        msg = adj_values[:, None] * jnp.take(E, cols, axis=0)
        E = jax.ops.segment_sum(msg, rows, num_segments=N)
        E = jax.nn.relu(E)  # hgnn_activation = 'relu'
        final.append(E)
    E = jnp.mean(jnp.stack(final), axis=0)
    E = jnp.concatenate([jnp.zeros((1, E.shape[1]), dtype=E.dtype), E], axis=0)
    out = jnp.take(E, x, axis=0)  # [B, L, D]
    # Diag2Patient fusion (agg_type='mean'): masked mean over the code dimension,
    # where mask = (x == 0) marks padding positions.
    mask = (x == 0)
    valid = (~mask).astype(out.dtype)[..., None]
    s = jnp.sum(out * valid, axis=1)
    cnt = jnp.maximum(jnp.sum(valid, axis=1), 1.0)
    return s / cnt

if __name__ == "__main__":
    import jax
    _d = setup_inputs()
    print(jax.jit(kernel)(*tuple(_d.values())))

</pallas_src>

<mosaic_0001>
#map = affine_map<(d0, d1) -> (0, 0)>
#map1 = affine_map<(d0, d1) -> (0, 0, 0)>
module attributes {stable_mosaic.version = 14 : i64} {
  func.func @_edge_layer_body(%arg0: i32, %arg1: i32, %arg2: memref<10112x128xf32, #tpu.memory_space<hbm>>, %arg3: memref<32x79x128xi32, #tpu.memory_space<hbm>>, %arg4: memref<32x79x128xi32, #tpu.memory_space<hbm>>, %arg5: memref<32x10112xf32, #tpu.memory_space<hbm>>, %arg6: memref<2x10112x128xf32, #tpu.memory_space<hbm>>, %arg7: memref<10112x128xf32, #tpu.memory_space<vmem_shared>>, %arg8: memref<79x128xi32, #tpu.memory_space<vmem>>, %arg9: memref<79x128xi32, #tpu.memory_space<vmem>>, %arg10: memref<10112xf32, #tpu.memory_space<vmem>>, %arg11: memref<128x128xf32, #tpu.memory_space<vmem>>, %arg12: memref<!tpu.dma_semaphore, #tpu.memory_space<semaphore_mem>>, %arg13: memref<!tpu.dma_semaphore, #tpu.memory_space<semaphore_mem>>) attributes {dimension_semantics = [#tpu.dimension_semantics<core_parallel>, #tpu.dimension_semantics<subcore_parallel>], iteration_bounds = array<i64: 2, 16>, scalar_prefetch = 0 : i64, scratch_operands = 7 : i64, tpu.core_type = #tpu.core_type<sc_vector_subcore>, window_params = [{transform_indices = #map}, {transform_indices = #map1}, {transform_indices = #map1}, {transform_indices = #map}, {transform_indices = #map1}]} {
    %mul3A = arith.constant 2 : i32
    %mul3A_0 = arith.muli %arg1, %mul3A : i32
    %add3A = arith.addi %mul3A_0, %arg0 : i32
    %broadcast_in_dim3A = arith.constant 0.000000e+00 : f32
    %broadcast_in_dim3A_1 = vector.broadcast %broadcast_in_dim3A : f32 to vector<16xf32>
    %scan3A = arith.constant 0 : i32
    %scan3A_2 = arith.constant 0 : i32
    %scan3A_3 = arith.constant 128 : i32
    %scan3A_4 = arith.addi %scan3A_2, %scan3A_3 : i32
    %scan3A_5 = arith.constant 1 : i32
    scf.for %scan3A_38 = %scan3A_2 to %scan3A_4 step %scan3A_5  : i32 {
      %swap3A = arith.index_cast %scan3A_38 : i32 to index
      %swap3A_39 = arith.constant 0 : index
      %swap3A_40 = tpu.vector_load %arg11[%swap3A, %swap3A_39] {strides = array<i32>} : memref<128x128xf32, #tpu.memory_space<vmem>>, vector<16xf32>,
      tpu.vector_store %arg11[%swap3A, %swap3A_39], %broadcast_in_dim3A_1 {strides = array<i32>} : memref<128x128xf32, #tpu.memory_space<vmem>>, vector<16xf32>,
      %swap3A_41 = arith.index_cast %scan3A_38 : i32 to index
      %swap3A_42 = arith.constant 16 : index
      %swap3A_43 = tpu.vector_load %arg11[%swap3A_41, %swap3A_42] {strides = array<i32>} : memref<128x128xf32, #tpu.memory_space<vmem>>, vector<16xf32>,
      tpu.vector_store %arg11[%swap3A_41, %swap3A_42], %broadcast_in_dim3A_1 {strides = array<i32>} : memref<128x128xf32, #tpu.memory_space<vmem>>, vector<16xf32>,
      %swap3A_44 = arith.index_cast %scan3A_38 : i32 to index
      %swap3A_45 = arith.constant 32 : index
      %swap3A_46 = tpu.vector_load %arg11[%swap3A_44, %swap3A_45] {strides = array<i32>} : memref<128x128xf32, #tpu.memory_space<vmem>>, vector<16xf32>,
      tpu.vector_store %arg11[%swap3A_44, %swap3A_45], %broadcast_in_dim3A_1 {strides = array<i32>} : memref<128x128xf32, #tpu.memory_space<vmem>>, vector<16xf32>,
      %swap3A_47 = arith.index_cast %scan3A_38 : i32 to index
      %swap3A_48 = arith.constant 48 : index
      %swap3A_49 = tpu.vector_load %arg11[%swap3A_47, %swap3A_48] {strides = array<i32>} : memref<128x128xf32, #tpu.memory_space<vmem>>, vector<16xf32>,
      tpu.vector_store %arg11[%swap3A_47, %swap3A_48], %broadcast_in_dim3A_1 {strides = array<i32>} : memref<128x128xf32, #tpu.memory_space<vmem>>, vector<16xf32>,
      %swap3A_50 = arith.index_cast %scan3A_38 : i32 to index
      %swap3A_51 = arith.constant 64 : index
      %swap3A_52 = tpu.vector_load %arg11[%swap3A_50, %swap3A_51] {strides = array<i32>} : memref<128x128xf32, #tpu.memory_space<vmem>>, vector<16xf32>,
      tpu.vector_store %arg11[%swap3A_50, %swap3A_51], %broadcast_in_dim3A_1 {strides = array<i32>} : memref<128x128xf32, #tpu.memory_space<vmem>>, vector<16xf32>,
      %swap3A_53 = arith.index_cast %scan3A_38 : i32 to index
      %swap3A_54 = arith.constant 80 : index
      %swap3A_55 = tpu.vector_load %arg11[%swap3A_53, %swap3A_54] {strides = array<i32>} : memref<128x128xf32, #tpu.memory_space<vmem>>, vector<16xf32>,
      tpu.vector_store %arg11[%swap3A_53, %swap3A_54], %broadcast_in_dim3A_1 {strides = array<i32>} : memref<128x128xf32, #tpu.memory_space<vmem>>, vector<16xf32>,
      %swap3A_56 = arith.index_cast %scan3A_38 : i32 to index
      %swap3A_57 = arith.constant 96 : index
      %swap3A_58 = tpu.vector_load %arg11[%swap3A_56, %swap3A_57] {strides = array<i32>} : memref<128x128xf32, #tpu.memory_space<vmem>>, vector<16xf32>,
      tpu.vector_store %arg11[%swap3A_56, %swap3A_57], %broadcast_in_dim3A_1 {strides = array<i32>} : memref<128x128xf32, #tpu.memory_space<vmem>>, vector<16xf32>,
      %swap3A_59 = arith.index_cast %scan3A_38 : i32 to index
      %swap3A_60 = arith.constant 112 : index
      %swap3A_61 = tpu.vector_load %arg11[%swap3A_59, %swap3A_60] {strides = array<i32>} : memref<128x128xf32, #tpu.memory_space<vmem>>, vector<16xf32>,
      tpu.vector_store %arg11[%swap3A_59, %swap3A_60], %broadcast_in_dim3A_1 {strides = array<i32>} : memref<128x128xf32, #tpu.memory_space<vmem>>, vector<16xf32>,
    }
    %scan3A_6 = arith.constant 128 : i32
    %mul3A_7 = arith.constant 632 : i32
    %mul3A_8 = arith.muli %arg1, %mul3A_7 : i32
    %add3A_9 = arith.constant 0 : i32
    %add3A_10 = arith.addi %mul3A_8, %add3A_9 : i32
    "tpu.region"() ({
      %run_scoped3A = tpu.sem_alloc : memref<!tpu.dma_semaphore, #tpu.memory_space<semaphore_mem>>
      %dma_start3A = arith.constant 0 : i32
      %dma_start3A_38 = arith.constant 0 : i32
      %dma_start3A_39 = tpu.memref_slice %arg11[%dma_start3A, %dma_start3A_38] : memref<128x128xf32, #tpu.memory_space<vmem>> -> memref<128x128xf32, #tpu.memory_space<vmem>>
      %dma_start3A_40 = arith.constant 0 : i32
      %dma_start3A_41 = tpu.memref_slice %arg7[%add3A_10, %dma_start3A_40] : memref<10112x128xf32, #tpu.memory_space<vmem_shared>> -> memref<128x128xf32, #tpu.memory_space<vmem_shared>>
      %dma_start3A_42 = arith.constant 0 : i32
      %dma_start3A_43 = tpu.memref_slice %arg7[%add3A_10, %dma_start3A_42] : memref<10112x128xf32, #tpu.memory_space<vmem_shared>> -> memref<128x128xf32, #tpu.memory_space<vmem_shared>>
      %dma_start3A_44 = arith.constant 0 : i32
      %dma_start3A_45 = arith.constant 0 : i32
      %dma_start3A_46 = tpu.memref_slice %arg11[%dma_start3A_44, %dma_start3A_45] : memref<128x128xf32, #tpu.memory_space<vmem>> -> memref<128x128xf32, #tpu.memory_space<vmem>>
      tpu.enqueue_dma source(%dma_start3A_46 : memref<128x128xf32, #tpu.memory_space<vmem>>) target(%dma_start3A_43 : memref<128x128xf32, #tpu.memory_space<vmem_shared>>) target_semaphore(%run_scoped3A : memref<!tpu.dma_semaphore, #tpu.memory_space<semaphore_mem>>)
      %dma_wait3A = arith.constant 0 : i32
      %dma_wait3A_47 = arith.constant 0 : i32
      %dma_wait3A_48 = tpu.memref_slice %arg11[%dma_wait3A, %dma_wait3A_47] : memref<128x128xf32, #tpu.memory_space<vmem>> -> memref<128x128xf32, #tpu.memory_space<vmem>>
      %dma_wait3A_49 = arith.constant 0 : i32
      %dma_wait3A_50 = tpu.memref_slice %arg7[%add3A_10, %dma_wait3A_49] : memref<10112x128xf32, #tpu.memory_space<vmem_shared>> -> memref<128x128xf32, #tpu.memory_space<vmem_shared>>
      %dma_wait3A_51 = arith.constant 0 : i32
      %dma_wait3A_52 = tpu.memref_slice %arg7[%add3A_10, %dma_wait3A_51] : memref<10112x128xf32, #tpu.memory_space<vmem_shared>> -> memref<128x128xf32, #tpu.memory_space<vmem_shared>>
      %dma_wait3A_53 = arith.constant 0 : i32
      %dma_wait3A_54 = arith.constant 0 : i32
      %dma_wait3A_55 = tpu.memref_slice %arg11[%dma_wait3A_53, %dma_wait3A_54] : memref<128x128xf32, #tpu.memory_space<vmem>> -> memref<128x128xf32, #tpu.memory_space<vmem>>
      tpu.wait_dma2 semaphore(%run_scoped3A : memref<!tpu.dma_semaphore, #tpu.memory_space<semaphore_mem>>) src(%dma_wait3A_55 : memref<128x128xf32, #tpu.memory_space<vmem>>) dst(%dma_wait3A_52 : memref<128x128xf32, #tpu.memory_space<vmem_shared>>)
      tpu.yield
    }) : () -> ()
    %mul3A_11 = arith.constant 632 : i32
    %mul3A_12 = arith.muli %arg1, %mul3A_11 : i32
    %add3A_13 = arith.constant 128 : i32
    %add3A_14 = arith.addi %mul3A_12, %add3A_13 : i32
    "tpu.region"() ({
      %run_scoped3A = tpu.sem_alloc : memref<!tpu.dma_semaphore, #tpu.memory_space<semaphore_mem>>
      %dma_start3A = arith.constant 0 : i32
      %dma_start3A_38 = arith.constant 0 : i32
      %dma_start3A_39 = tpu.memref_slice %arg11[%dma_start3A, %dma_start3A_38] : memref<128x128xf32, #tpu.memory_space<vmem>> -> memref<128x128xf32, #tpu.memory_space<vmem>>
      %dma_start3A_40 = arith.constant 0 : i32
      %dma_start3A_41 = tpu.memref_slice %arg7[%add3A_14, %dma_start3A_40] : memref<10112x128xf32, #tpu.memory_space<vmem_shared>> -> memref<128x128xf32, #tpu.memory_space<vmem_shared>>
      %dma_start3A_42 = arith.constant 0 : i32
      %dma_start3A_43 = tpu.memref_slice %arg7[%add3A_14, %dma_start3A_42] : memref<10112x128xf32, #tpu.memory_space<vmem_shared>> -> memref<128x128xf32, #tpu.memory_space<vmem_shared>>
      %dma_start3A_44 = arith.constant 0 : i32
      %dma_start3A_45 = arith.constant 0 : i32
      %dma_start3A_46 = tpu.memref_slice %arg11[%dma_start3A_44, %dma_start3A_45] : memref<128x128xf32, #tpu.memory_space<vmem>> -> memref<128x128xf32, #tpu.memory_space<vmem>>
      tpu.enqueue_dma source(%dma_start3A_46 : memref<128x128xf32, #tpu.memory_space<vmem>>) target(%dma_start3A_43 : memref<128x128xf32, #tpu.memory_space<vmem_shared>>) target_semaphore(%run_scoped3A : memref<!tpu.dma_semaphore, #tpu.memory_space<semaphore_mem>>)
      %dma_wait3A = arith.constant 0 : i32
      %dma_wait3A_47 = arith.constant 0 : i32
      %dma_wait3A_48 = tpu.memref_slice %arg11[%dma_wait3A, %dma_wait3A_47] : memref<128x128xf32, #tpu.memory_space<vmem>> -> memref<128x128xf32, #tpu.memory_space<vmem>>
      %dma_wait3A_49 = arith.constant 0 : i32
      %dma_wait3A_50 = tpu.memref_slice %arg7[%add3A_14, %dma_wait3A_49] : memref<10112x128xf32, #tpu.memory_space<vmem_shared>> -> memref<128x128xf32, #tpu.memory_space<vmem_shared>>
      %dma_wait3A_51 = arith.constant 0 : i32
      %dma_wait3A_52 = tpu.memref_slice %arg7[%add3A_14, %dma_wait3A_51] : memref<10112x128xf32, #tpu.memory_space<vmem_shared>> -> memref<128x128xf32, #tpu.memory_space<vmem_shared>>
      %dma_wait3A_53 = arith.constant 0 : i32
      %dma_wait3A_54 = arith.constant 0 : i32
      %dma_wait3A_55 = tpu.memref_slice %arg11[%dma_wait3A_53, %dma_wait3A_54] : memref<128x128xf32, #tpu.memory_space<vmem>> -> memref<128x128xf32, #tpu.memory_space<vmem>>
      tpu.wait_dma2 semaphore(%run_scoped3A : memref<!tpu.dma_semaphore, #tpu.memory_space<semaphore_mem>>) src(%dma_wait3A_55 : memref<128x128xf32, #tpu.memory_space<vmem>>) dst(%dma_wait3A_52 : memref<128x128xf32, #tpu.memory_space<vmem_shared>>)
      tpu.yield
    }) : () -> ()
    %mul3A_15 = arith.constant 632 : i32
    %mul3A_16 = arith.muli %arg1, %mul3A_15 : i32
    %add3A_17 = arith.constant 256 : i32
    %add3A_18 = arith.addi %mul3A_16, %add3A_17 : i32
    "tpu.region"() ({
      %run_scoped3A = tpu.sem_alloc : memref<!tpu.dma_semaphore, #tpu.memory_space<semaphore_mem>>
      %dma_start3A = arith.constant 0 : i32
      %dma_start3A_38 = arith.constant 0 : i32
      %dma_start3A_39 = tpu.memref_slice %arg11[%dma_start3A, %dma_start3A_38] : memref<128x128xf32, #tpu.memory_space<vmem>> -> memref<128x128xf32, #tpu.memory_space<vmem>>
      %dma_start3A_40 = arith.constant 0 : i32
      %dma_start3A_41 = tpu.memref_slice %arg7[%add3A_18, %dma_start3A_40] : memref<10112x128xf32, #tpu.memory_space<vmem_shared>> -> memref<128x128xf32, #tpu.memory_space<vmem_shared>>
      %dma_start3A_42 = arith.constant 0 : i32
      %dma_start3A_43 = tpu.memref_slice %arg7[%add3A_18, %dma_start3A_42] : memref<10112x128xf32, #tpu.memory_space<vmem_shared>> -> memref<128x128xf32, #tpu.memory_space<vmem_shared>>
      %dma_start3A_44 = arith.constant 0 : i32
      %dma_start3A_45 = arith.constant 0 : i32
      %dma_start3A_46 = tpu.memref_slice %arg11[%dma_start3A_44, %dma_start3A_45] : memref<128x128xf32, #tpu.memory_space<vmem>> -> memref<128x128xf32, #tpu.memory_space<vmem>>
      tpu.enqueue_dma source(%dma_start3A_46 : memref<128x128xf32, #tpu.memory_space<vmem>>) target(%dma_start3A_43 : memref<128x128xf32, #tpu.memory_space<vmem_shared>>) target_semaphore(%run_scoped3A : memref<!tpu.dma_semaphore, #tpu.memory_space<semaphore_mem>>)
      %dma_wait3A = arith.constant 0 : i32
      %dma_wait3A_47 = arith.constant 0 : i32
      %dma_wait3A_48 = tpu.memref_slice %arg11[%dma_wait3A, %dma_wait3A_47] : memref<128x128xf32, #tpu.memory_space<vmem>> -> memref<128x128xf32, #tpu.memory_space<vmem>>
      %dma_wait3A_49 = arith.constant 0 : i32
      %dma_wait3A_50 = tpu.memref_slice %arg7[%add3A_18, %dma_wait3A_49] : memref<10112x128xf32, #tpu.memory_space<vmem_shared>> -> memref<128x128xf32, #tpu.memory_space<vmem_shared>>
      %dma_wait3A_51 = arith.constant 0 : i32
      %dma_wait3A_52 = tpu.memref_slice %arg7[%add3A_18, %dma_wait3A_51] : memref<10112x128xf32, #tpu.memory_space<vmem_shared>> -> memref<128x128xf32, #tpu.memory_space<vmem_shared>>
      %dma_wait3A_53 = arith.constant 0 : i32
      %dma_wait3A_54 = arith.constant 0 : i32
      %dma_wait3A_55 = tpu.memref_slice %arg11[%dma_wait3A_53, %dma_wait3A_54] : memref<128x128xf32, #tpu.memory_space<vmem>> -> memref<128x128xf32, #tpu.memory_space<vmem>>
      tpu.wait_dma2 semaphore(%run_scoped3A : memref<!tpu.dma_semaphore, #tpu.memory_space<semaphore_mem>>) src(%dma_wait3A_55 : memref<128x128xf32, #tpu.memory_space<vmem>>) dst(%dma_wait3A_52 : memref<128x128xf32, #tpu.memory_space<vmem_shared>>)
      tpu.yield
    }) : () -> ()
    %mul3A_19 = arith.constant 632 : i32
    %mul3A_20 = arith.muli %arg1, %mul3A_19 : i32
    %add3A_21 = arith.constant 384 : i32
    %add3A_22 = arith.addi %mul3A_20, %add3A_21 : i32
    "tpu.region"() ({
      %run_scoped3A = tpu.sem_alloc : memref<!tpu.dma_semaphore, #tpu.memory_space<semaphore_mem>>
      %dma_start3A = arith.constant 0 : i32
      %dma_start3A_38 = arith.constant 0 : i32
      %dma_start3A_39 = tpu.memref_slice %arg11[%dma_start3A, %dma_start3A_38] : memref<128x128xf32, #tpu.memory_space<vmem>> -> memref<128x128xf32, #tpu.memory_space<vmem>>
      %dma_start3A_40 = arith.constant 0 : i32
      %dma_start3A_41 = tpu.memref_slice %arg7[%add3A_22, %dma_start3A_40] : memref<10112x128xf32, #tpu.memory_space<vmem_shared>> -> memref<128x128xf32, #tpu.memory_space<vmem_shared>>
      %dma_start3A_42 = arith.constant 0 : i32
      %dma_start3A_43 = tpu.memref_slice %arg7[%add3A_22, %dma_start3A_42] : memref<10112x128xf32, #tpu.memory_space<vmem_shared>> -> memref<128x128xf32, #tpu.memory_space<vmem_shared>>
      %dma_start3A_44 = arith.constant 0 : i32
      %dma_start3A_45 = arith.constant 0 : i32
      %dma_start3A_46 = tpu.memref_slice %arg11[%dma_start3A_44, %dma_start3A_45] : memref<128x128xf32, #tpu.memory_space<vmem>> -> memref<128x128xf32, #tpu.memory_space<vmem>>
      tpu.enqueue_dma source(%dma_start3A_46 : memref<128x128xf32, #tpu.memory_space<vmem>>) target(%dma_start3A_43 : memref<128x128xf32, #tpu.memory_space<vmem_shared>>) target_semaphore(%run_scoped3A : memref<!tpu.dma_semaphore, #tpu.memory_space<semaphore_mem>>)
      %dma_wait3A = arith.constant 0 : i32
      %dma_wait3A_47 = arith.constant 0 : i32
      %dma_wait3A_48 = tpu.memref_slice %arg11[%dma_wait3A, %dma_wait3A_47] : memref<128x128xf32, #tpu.memory_space<vmem>> -> memref<128x128xf32, #tpu.memory_space<vmem>>
      %dma_wait3A_49 = arith.constant 0 : i32
      %dma_wait3A_50 = tpu.memref_slice %arg7[%add3A_22, %dma_wait3A_49] : memref<10112x128xf32, #tpu.memory_space<vmem_shared>> -> memref<128x128xf32, #tpu.memory_space<vmem_shared>>
      %dma_wait3A_51 = arith.constant 0 : i32
      %dma_wait3A_52 = tpu.memref_slice %arg7[%add3A_22, %dma_wait3A_51] : memref<10112x128xf32, #tpu.memory_space<vmem_shared>> -> memref<128x128xf32, #tpu.memory_space<vmem_shared>>
      %dma_wait3A_53 = arith.constant 0 : i32
      %dma_wait3A_54 = arith.constant 0 : i32
      %dma_wait3A_55 = tpu.memref_slice %arg11[%dma_wait3A_53, %dma_wait3A_54] : memref<128x128xf32, #tpu.memory_space<vmem>> -> memref<128x128xf32, #tpu.memory_space<vmem>>
      tpu.wait_dma2 semaphore(%run_scoped3A : memref<!tpu.dma_semaphore, #tpu.memory_space<semaphore_mem>>) src(%dma_wait3A_55 : memref<128x128xf32, #tpu.memory_space<vmem>>) dst(%dma_wait3A_52 : memref<128x128xf32, #tpu.memory_space<vmem_shared>>)
      tpu.yield
    }) : () -> ()
    %mul3A_23 = arith.constant 632 : i32
    %mul3A_24 = arith.muli %arg1, %mul3A_23 : i32
    %add3A_25 = arith.constant 512 : i32
    %add3A_26 = arith.addi %mul3A_24, %add3A_25 : i32
    "tpu.region"() ({
      %run_scoped3A = tpu.sem_alloc : memref<!tpu.dma_semaphore, #tpu.memory_space<semaphore_mem>>
      %dma_start3A = arith.constant 0 : i32
      %dma_start3A_38 = arith.constant 0 : i32
      %dma_start3A_39 = tpu.memref_slice %arg11[%dma_start3A, %dma_start3A_38] : memref<128x128xf32, #tpu.memory_space<vmem>> -> memref<120x128xf32, #tpu.memory_space<vmem>>
      %dma_start3A_40 = arith.constant 0 : i32
      %dma_start3A_41 = tpu.memref_slice %arg7[%add3A_26, %dma_start3A_40] : memref<10112x128xf32, #tpu.memory_space<vmem_shared>> -> memref<120x128xf32, #tpu.memory_space<vmem_shared>>
      %dma_start3A_42 = arith.constant 0 : i32
      %dma_start3A_43 = tpu.memref_slice %arg7[%add3A_26, %dma_start3A_42] : memref<10112x128xf32, #tpu.memory_space<vmem_shared>> -> memref<120x128xf32, #tpu.memory_space<vmem_shared>>
      %dma_start3A_44 = arith.constant 0 : i32
      %dma_start3A_45 = arith.constant 0 : i32
      %dma_start3A_46 = tpu.memref_slice %arg11[%dma_start3A_44, %dma_start3A_45] : memref<128x128xf32, #tpu.memory_space<vmem>> -> memref<120x128xf32, #tpu.memory_space<vmem>>
      tpu.enqueue_dma source(%dma_start3A_46 : memref<120x128xf32, #tpu.memory_space<vmem>>) target(%dma_start3A_43 : memref<120x128xf32, #tpu.memory_space<vmem_shared>>) target_semaphore(%run_scoped3A : memref<!tpu.dma_semaphore, #tpu.memory_space<semaphore_mem>>)
      %dma_wait3A = arith.constant 0 : i32
      %dma_wait3A_47 = arith.constant 0 : i32
      %dma_wait3A_48 = tpu.memref_slice %arg11[%dma_wait3A, %dma_wait3A_47] : memref<128x128xf32, #tpu.memory_space<vmem>> -> memref<120x128xf32, #tpu.memory_space<vmem>>
      %dma_wait3A_49 = arith.constant 0 : i32
      %dma_wait3A_50 = tpu.memref_slice %arg7[%add3A_26, %dma_wait3A_49] : memref<10112x128xf32, #tpu.memory_space<vmem_shared>> -> memref<120x128xf32, #tpu.memory_space<vmem_shared>>
      %dma_wait3A_51 = arith.constant 0 : i32
      %dma_wait3A_52 = tpu.memref_slice %arg7[%add3A_26, %dma_wait3A_51] : memref<10112x128xf32, #tpu.memory_space<vmem_shared>> -> memref<120x128xf32, #tpu.memory_space<vmem_shared>>
      %dma_wait3A_53 = arith.constant 0 : i32
      %dma_wait3A_54 = arith.constant 0 : i32
      %dma_wait3A_55 = tpu.memref_slice %arg11[%dma_wait3A_53, %dma_wait3A_54] : memref<128x128xf32, #tpu.memory_space<vmem>> -> memref<120x128xf32, #tpu.memory_space<vmem>>
      tpu.wait_dma2 semaphore(%run_scoped3A : memref<!tpu.dma_semaphore, #tpu.memory_space<semaphore_mem>>) src(%dma_wait3A_55 : memref<120x128xf32, #tpu.memory_space<vmem>>) dst(%dma_wait3A_52 : memref<120x128xf32, #tpu.memory_space<vmem_shared>>)
      tpu.yield
    }) : () -> ()
    %barrier3A = arith.constant 0 : index
    tpu.barrier barrier_id(%barrier3A)
    "tpu.region"() ({
      %run_scoped3A = tpu.sem_alloc : memref<!tpu.dma_semaphore, #tpu.memory_space<semaphore_mem>>
      %dma_start3A = arith.constant 0 : i32
      %dma_start3A_38 = arith.constant 0 : i32
      %dma_start3A_39 = tpu.memref_slice %arg3[%add3A, %dma_start3A, %dma_start3A_38] : memref<32x79x128xi32, #tpu.memory_space<hbm>> -> memref<1x79x128xi32, #tpu.memory_space<hbm>>
      %dma_start3A_40 = tpu.memref_squeeze %dma_start3A_39 : memref<1x79x128xi32, #tpu.memory_space<hbm>> -> memref<79x128xi32, #tpu.memory_space<hbm>>
      %dma_start3A_41 = arith.constant 0 : i32
      %dma_start3A_42 = arith.constant 0 : i32
      %dma_start3A_43 = tpu.memref_slice %arg3[%add3A, %dma_start3A_41, %dma_start3A_42] : memref<32x79x128xi32, #tpu.memory_space<hbm>> -> memref<1x79x128xi32, #tpu.memory_space<hbm>>
      %dma_start3A_44 = tpu.memref_squeeze %dma_start3A_43 : memref<1x79x128xi32, #tpu.memory_space<hbm>> -> memref<79x128xi32, #tpu.memory_space<hbm>>
      tpu.enqueue_dma source(%dma_start3A_44 : memref<79x128xi32, #tpu.memory_space<hbm>>) target(%arg8 : memref<79x128xi32, #tpu.memory_space<vmem>>) target_semaphore(%run_scoped3A : memref<!tpu.dma_semaphore, #tpu.memory_space<semaphore_mem>>)
      %dma_wait3A = arith.constant 0 : i32
      %dma_wait3A_45 = arith.constant 0 : i32
      %dma_wait3A_46 = tpu.memref_slice %arg3[%add3A, %dma_wait3A, %dma_wait3A_45] : memref<32x79x128xi32, #tpu.memory_space<hbm>> -> memref<1x79x128xi32, #tpu.memory_space<hbm>>
      %dma_wait3A_47 = tpu.memref_squeeze %dma_wait3A_46 : memref<1x79x128xi32, #tpu.memory_space<hbm>> -> memref<79x128xi32, #tpu.memory_space<hbm>>
      %dma_wait3A_48 = arith.constant 0 : i32
      %dma_wait3A_49 = arith.constant 0 : i32
      %dma_wait3A_50 = tpu.memref_slice %arg3[%add3A, %dma_wait3A_48, %dma_wait3A_49] : memref<32x79x128xi32, #tpu.memory_space<hbm>> -> memref<1x79x128xi32, #tpu.memory_space<hbm>>
      %dma_wait3A_51 = tpu.memref_squeeze %dma_wait3A_50 : memref<1x79x128xi32, #tpu.memory_space<hbm>> -> memref<79x128xi32, #tpu.memory_space<hbm>>
      tpu.wait_dma2 semaphore(%run_scoped3A : memref<!tpu.dma_semaphore, #tpu.memory_space<semaphore_mem>>) src(%dma_wait3A_51 : memref<79x128xi32, #tpu.memory_space<hbm>>) dst(%arg8 : memref<79x128xi32, #tpu.memory_space<vmem>>)
      tpu.yield
    }) : () -> ()
    "tpu.region"() ({
      %run_scoped3A = tpu.sem_alloc : memref<!tpu.dma_semaphore, #tpu.memory_space<semaphore_mem>>
      %dma_start3A = arith.constant 0 : i32
      %dma_start3A_38 = arith.constant 0 : i32
      %dma_start3A_39 = tpu.memref_slice %arg4[%add3A, %dma_start3A, %dma_start3A_38] : memref<32x79x128xi32, #tpu.memory_space<hbm>> -> memref<1x79x128xi32, #tpu.memory_space<hbm>>
      %dma_start3A_40 = tpu.memref_squeeze %dma_start3A_39 : memref<1x79x128xi32, #tpu.memory_space<hbm>> -> memref<79x128xi32, #tpu.memory_space<hbm>>
      %dma_start3A_41 = arith.constant 0 : i32
      %dma_start3A_42 = arith.constant 0 : i32
      %dma_start3A_43 = tpu.memref_slice %arg4[%add3A, %dma_start3A_41, %dma_start3A_42] : memref<32x79x128xi32, #tpu.memory_space<hbm>> -> memref<1x79x128xi32, #tpu.memory_space<hbm>>
      %dma_start3A_44 = tpu.memref_squeeze %dma_start3A_43 : memref<1x79x128xi32, #tpu.memory_space<hbm>> -> memref<79x128xi32, #tpu.memory_space<hbm>>
      tpu.enqueue_dma source(%dma_start3A_44 : memref<79x128xi32, #tpu.memory_space<hbm>>) target(%arg9 : memref<79x128xi32, #tpu.memory_space<vmem>>) target_semaphore(%run_scoped3A : memref<!tpu.dma_semaphore, #tpu.memory_space<semaphore_mem>>)
      %dma_wait3A = arith.constant 0 : i32
      %dma_wait3A_45 = arith.constant 0 : i32
      %dma_wait3A_46 = tpu.memref_slice %arg4[%add3A, %dma_wait3A, %dma_wait3A_45] : memref<32x79x128xi32, #tpu.memory_space<hbm>> -> memref<1x79x128xi32, #tpu.memory_space<hbm>>
      %dma_wait3A_47 = tpu.memref_squeeze %dma_wait3A_46 : memref<1x79x128xi32, #tpu.memory_space<hbm>> -> memref<79x128xi32, #tpu.memory_space<hbm>>
      %dma_wait3A_48 = arith.constant 0 : i32
      %dma_wait3A_49 = arith.constant 0 : i32
      %dma_wait3A_50 = tpu.memref_slice %arg4[%add3A, %dma_wait3A_48, %dma_wait3A_49] : memref<32x79x128xi32, #tpu.memory_space<hbm>> -> memref<1x79x128xi32, #tpu.memory_space<hbm>>
      %dma_wait3A_51 = tpu.memref_squeeze %dma_wait3A_50 : memref<1x79x128xi32, #tpu.memory_space<hbm>> -> memref<79x128xi32, #tpu.memory_space<hbm>>
      tpu.wait_dma2 semaphore(%run_scoped3A : memref<!tpu.dma_semaphore, #tpu.memory_space<semaphore_mem>>) src(%dma_wait3A_51 : memref<79x128xi32, #tpu.memory_space<hbm>>) dst(%arg9 : memref<79x128xi32, #tpu.memory_space<vmem>>)
      tpu.yield
    }) : () -> ()
    "tpu.region"() ({
      %run_scoped3A = tpu.sem_alloc : memref<!tpu.dma_semaphore, #tpu.memory_space<semaphore_mem>>
      %dma_start3A = arith.constant 0 : i32
      %dma_start3A_38 = tpu.memref_slice %arg5[%add3A, %dma_start3A] : memref<32x10112xf32, #tpu.memory_space<hbm>> -> memref<1x10112xf32, #tpu.memory_space<hbm>>
      %dma_start3A_39 = tpu.memref_squeeze %dma_start3A_38 : memref<1x10112xf32, #tpu.memory_space<hbm>> -> memref<10112xf32, #tpu.memory_space<hbm>>
      %dma_start3A_40 = arith.constant 0 : i32
      %dma_start3A_41 = tpu.memref_slice %arg5[%add3A, %dma_start3A_40] : memref<32x10112xf32, #tpu.memory_space<hbm>> -> memref<1x10112xf32, #tpu.memory_space<hbm>>
      %dma_start3A_42 = tpu.memref_squeeze %dma_start3A_41 : memref<1x10112xf32, #tpu.memory_space<hbm>> -> memref<10112xf32, #tpu.memory_space<hbm>>
      tpu.enqueue_dma source(%dma_start3A_42 : memref<10112xf32, #tpu.memory_space<hbm>>) target(%arg10 : memref<10112xf32, #tpu.memory_space<vmem>>) target_semaphore(%run_scoped3A : memref<!tpu.dma_semaphore, #tpu.memory_space<semaphore_mem>>)
      %dma_wait3A = arith.constant 0 : i32
      %dma_wait3A_43 = tpu.memref_slice %arg5[%add3A, %dma_wait3A] : memref<32x10112xf32, #tpu.memory_space<hbm>> -> memref<1x10112xf32, #tpu.memory_space<hbm>>
      %dma_wait3A_44 = tpu.memref_squeeze %dma_wait3A_43 : memref<1x10112xf32, #tpu.memory_space<hbm>> -> memref<10112xf32, #tpu.memory_space<hbm>>
      %dma_wait3A_45 = arith.constant 0 : i32
      %dma_wait3A_46 = tpu.memref_slice %arg5[%add3A, %dma_wait3A_45] : memref<32x10112xf32, #tpu.memory_space<hbm>> -> memref<1x10112xf32, #tpu.memory_space<hbm>>
      %dma_wait3A_47 = tpu.memref_squeeze %dma_wait3A_46 : memref<1x10112xf32, #tpu.memory_space<hbm>> -> memref<10112xf32, #tpu.memory_space<hbm>>
      tpu.wait_dma2 semaphore(%run_scoped3A : memref<!tpu.dma_semaphore, #tpu.memory_space<semaphore_mem>>) src(%dma_wait3A_47 : memref<10112xf32, #tpu.memory_space<hbm>>) dst(%arg10 : memref<10112xf32, #tpu.memory_space<vmem>>)
      tpu.yield
    }) : () -> ()
    %scan3A_27 = arith.constant 0 : i32
    %scan3A_28 = arith.constant 0 : i32
    %scan3A_29 = arith.constant 79 : i32
    %scan3A_30 = arith.addi %scan3A_28, %scan3A_29 : i32
    %scan3A_31 = arith.constant 1 : i32
    scf.for %scan3A_38 = %scan3A_28 to %scan3A_30 step %scan3A_31  : i32 {
      %dma_start3A = arith.constant 0 : i32
      %dma_start3A_39 = tpu.memref_slice %arg8[%scan3A_38, %dma_start3A] : memref<79x128xi32, #tpu.memory_space<vmem>> -> memref<1x128xi32, #tpu.memory_space<vmem>>
      %dma_start3A_40 = tpu.memref_squeeze %dma_start3A_39 : memref<1x128xi32, #tpu.memory_space<vmem>> -> memref<128xi32, #tpu.memory_space<vmem>>
      %dma_start3A_41 = arith.constant 0 : i32
      %dma_start3A_42 = arith.constant 0 : i32
      %dma_start3A_43 = tpu.memref_slice %arg2[%dma_start3A_41, %dma_start3A_42] : memref<10112x128xf32, #tpu.memory_space<hbm>> -> memref<10112x128xf32, #tpu.memory_space<hbm>>
      tpu.enqueue_indirect_dma source(%dma_start3A_43 : memref<10112x128xf32, #tpu.memory_space<hbm>>) target(%arg11 : memref<128x128xf32, #tpu.memory_space<vmem>>) offsets(%dma_start3A_40 : memref<128xi32, #tpu.memory_space<vmem>>) semaphore(%arg12 : memref<!tpu.dma_semaphore, #tpu.memory_space<semaphore_mem>>)
      %dma_wait3A = arith.constant 0 : i32
      %dma_wait3A_44 = tpu.memref_slice %arg8[%scan3A_38, %dma_wait3A] : memref<79x128xi32, #tpu.memory_space<vmem>> -> memref<1x128xi32, #tpu.memory_space<vmem>>
      %dma_wait3A_45 = tpu.memref_squeeze %dma_wait3A_44 : memref<1x128xi32, #tpu.memory_space<vmem>> -> memref<128xi32, #tpu.memory_space<vmem>>
      %dma_wait3A_46 = arith.constant 0 : i32
      %dma_wait3A_47 = arith.constant 0 : i32
      %dma_wait3A_48 = tpu.memref_slice %arg2[%dma_wait3A_46, %dma_wait3A_47] : memref<10112x128xf32, #tpu.memory_space<hbm>> -> memref<10112x128xf32, #tpu.memory_space<hbm>>
      tpu.wait_indirect_dma semaphore(%arg12 : memref<!tpu.dma_semaphore, #tpu.memory_space<semaphore_mem>>) src(%dma_wait3A_48 : memref<10112x128xf32, #tpu.memory_space<hbm>>) dst(%arg11 : memref<128x128xf32, #tpu.memory_space<vmem>>)
      %mul3A_49 = arith.constant 128 : i32
      %mul3A_50 = arith.muli %scan3A_38, %mul3A_49 : i32
      %broadcast_in_dim3A_51 = vector.broadcast %mul3A_50 : i32 to vector<16xi32>
      %scan3A_52 = arith.constant 0 : i32
      %scan3A_53 = arith.constant 128 : i32
      %scan3A_54 = arith.addi %scan3A_52, %scan3A_53 : i32
      %scan3A_55 = arith.constant 2 : i32
      %scan3A_56 = scf.for %scan3A_70 = %scan3A_52 to %scan3A_54 step %scan3A_55 iter_args(%scan3A_71 = %broadcast_in_dim3A_51) -> (vector<16xi32>)  : i32 {
        %gather3A = tpu.vector_load_idx %arg10[%scan3A_71] : memref<10112xf32, #tpu.memory_space<vmem>>[vector<16xi32>], vector<16xf32>,
        %get3A = arith.index_cast %scan3A_70 : i32 to index
        %get3A_72 = arith.constant 0 : index
        %get3A_73 = tpu.vector_load %arg11[%get3A, %get3A_72] {strides = array<i32>} : memref<128x128xf32, #tpu.memory_space<vmem>>, vector<16xf32>,
        %mul3A_74 = arith.mulf %get3A_73, %gather3A : vector<16xf32>
        %swap3A = arith.index_cast %scan3A_70 : i32 to index
        %swap3A_75 = arith.constant 0 : index
        %swap3A_76 = tpu.vector_load %arg11[%swap3A, %swap3A_75] {strides = array<i32>} : memref<128x128xf32, #tpu.memory_space<vmem>>, vector<16xf32>,
        tpu.vector_store %arg11[%swap3A, %swap3A_75], %mul3A_74 {strides = array<i32>} : memref<128x128xf32, #tpu.memory_space<vmem>>, vector<16xf32>,
        %get3A_77 = arith.index_cast %scan3A_70 : i32 to index
        %get3A_78 = arith.constant 16 : index
        %get3A_79 = tpu.vector_load %arg11[%get3A_77, %get3A_78] {strides = array<i32>} : memref<128x128xf32, #tpu.memory_space<vmem>>, vector<16xf32>,
        %mul3A_80 = arith.mulf %get3A_79, %gather3A : vector<16xf32>
        %swap3A_81 = arith.index_cast %scan3A_70 : i32 to index
        %swap3A_82 = arith.constant 16 : index
        %swap3A_83 = tpu.vector_load %arg11[%swap3A_81, %swap3A_82] {strides = array<i32>} : memref<128x128xf32, #tpu.memory_space<vmem>>, vector<16xf32>,
        tpu.vector_store %arg11[%swap3A_81, %swap3A_82], %mul3A_80 {strides = array<i32>} : memref<128x128xf32, #tpu.memory_space<vmem>>, vector<16xf32>,
        %get3A_84 = arith.index_cast %scan3A_70 : i32 to index
        %get3A_85 = arith.constant 32 : index
        %get3A_86 = tpu.vector_load %arg11[%get3A_84, %get3A_85] {strides = array<i32>} : memref<128x128xf32, #tpu.memory_space<vmem>>, vector<16xf32>,
        %mul3A_87 = arith.mulf %get3A_86, %gather3A : vector<16xf32>
        %swap3A_88 = arith.index_cast %scan3A_70 : i32 to index
        %swap3A_89 = arith.constant 32 : index
        %swap3A_90 = tpu.vector_load %arg11[%swap3A_88, %swap3A_89] {strides = array<i32>} : memref<128x128xf32, #tpu.memory_space<vmem>>, vector<16xf32>,
        tpu.vector_store %arg11[%swap3A_88, %swap3A_89], %mul3A_87 {strides = array<i32>} : memref<128x128xf32, #tpu.memory_space<vmem>>, vector<16xf32>,
        %get3A_91 = arith.index_cast %scan3A_70 : i32 to index
        %get3A_92 = arith.constant 48 : index
        %get3A_93 = tpu.vector_load %arg11[%get3A_91, %get3A_92] {strides = array<i32>} : memref<128x128xf32, #tpu.memory_space<vmem>>, vector<16xf32>,
        %mul3A_94 = arith.mulf %get3A_93, %gather3A : vector<16xf32>
        %swap3A_95 = arith.index_cast %scan3A_70 : i32 to index
        %swap3A_96 = arith.constant 48 : index
        %swap3A_97 = tpu.vector_load %arg11[%swap3A_95, %swap3A_96] {strides = array<i32>} : memref<128x128xf32, #tpu.memory_space<vmem>>, vector<16xf32>,
        tpu.vector_store %arg11[%swap3A_95, %swap3A_96], %mul3A_94 {strides = array<i32>} : memref<128x128xf32, #tpu.memory_space<vmem>>, vector<16xf32>,
        %get3A_98 = arith.index_cast %scan3A_70 : i32 to index
        %get3A_99 = arith.constant 64 : index
        %get3A_100 = tpu.vector_load %arg11[%get3A_98, %get3A_99] {strides = array<i32>} : memref<128x128xf32, #tpu.memory_space<vmem>>, vector<16xf32>,
        %mul3A_101 = arith.mulf %get3A_100, %gather3A : vector<16xf32>
        %swap3A_102 = arith.index_cast %scan3A_70 : i32 to index
        %swap3A_103 = arith.constant 64 : index
        %swap3A_104 = tpu.vector_load %arg11[%swap3A_102, %swap3A_103] {strides = array<i32>} : memref<128x128xf32, #tpu.memory_space<vmem>>, vector<16xf32>,
        tpu.vector_store %arg11[%swap3A_102, %swap3A_103], %mul3A_101 {strides = array<i32>} : memref<128x128xf32, #tpu.memory_space<vmem>>, vector<16xf32>,
        %get3A_105 = arith.index_cast %scan3A_70 : i32 to index
        %get3A_106 = arith.constant 80 : index
        %get3A_107 = tpu.vector_load %arg11[%get3A_105, %get3A_106] {strides = array<i32>} : memref<128x128xf32, #tpu.memory_space<vmem>>, vector<16xf32>,
        %mul3A_108 = arith.mulf %get3A_107, %gather3A : vector<16xf32>
        %swap3A_109 = arith.index_cast %scan3A_70 : i32 to index
        %swap3A_110 = arith.constant 80 : index
        %swap3A_111 = tpu.vector_load %arg11[%swap3A_109, %swap3A_110] {strides = array<i32>} : memref<128x128xf32, #tpu.memory_space<vmem>>, vector<16xf32>,
        tpu.vector_store %arg11[%swap3A_109, %swap3A_110], %mul3A_108 {strides = array<i32>} : memref<128x128xf32, #tpu.memory_space<vmem>>, vector<16xf32>,
        %get3A_112 = arith.index_cast %scan3A_70 : i32 to index
        %get3A_113 = arith.constant 96 : index
        %get3A_114 = tpu.vector_load %arg11[%get3A_112, %get3A_113] {strides = array<i32>} : memref<128x128xf32, #tpu.memory_space<vmem>>, vector<16xf32>,
        %mul3A_115 = arith.mulf %get3A_114, %gather3A : vector<16xf32>
        %swap3A_116 = arith.index_cast %scan3A_70 : i32 to index
        %swap3A_117 = arith.constant 96 : index
        %swap3A_118 = tpu.vector_load %arg11[%swap3A_116, %swap3A_117] {strides = array<i32>} : memref<128x128xf32, #tpu.memory_space<vmem>>, vector<16xf32>,
        tpu.vector_store %arg11[%swap3A_116, %swap3A_117], %mul3A_115 {strides = array<i32>} : memref<128x128xf32, #tpu.memory_space<vmem>>, vector<16xf32>,
        %get3A_119 = arith.index_cast %scan3A_70 : i32 to index
        %get3A_120 = arith.constant 112 : index
        %get3A_121 = tpu.vector_load %arg11[%get3A_119, %get3A_120] {strides = array<i32>} : memref<128x128xf32, #tpu.memory_space<vmem>>, vector<16xf32>,
        %mul3A_122 = arith.mulf %get3A_121, %gather3A : vector<16xf32>
        %swap3A_123 = arith.index_cast %scan3A_70 : i32 to index
        %swap3A_124 = arith.constant 112 : index
        %swap3A_125 = tpu.vector_load %arg11[%swap3A_123, %swap3A_124] {strides = array<i32>} : memref<128x128xf32, #tpu.memory_space<vmem>>, vector<16xf32>,
        tpu.vector_store %arg11[%swap3A_123, %swap3A_124], %mul3A_122 {strides = array<i32>} : memref<128x128xf32, #tpu.memory_space<vmem>>, vector<16xf32>,
        %add3A_126 = arith.constant 1 : i32
        %add3A_127 = vector.broadcast %add3A_126 : i32 to vector<16xi32>
        %add3A_128 = arith.addi %scan3A_71, %add3A_127 : vector<16xi32>
        %scan3A_129 = arith.constant 1 : i32
        %scan3A_130 = arith.addi %scan3A_70, %scan3A_129 : i32
        %gather3A_131 = tpu.vector_load_idx %arg10[%add3A_128] : memref<10112xf32, #tpu.memory_space<vmem>>[vector<16xi32>], vector<16xf32>,
        %get3A_132 = arith.index_cast %scan3A_130 : i32 to index
        %get3A_133 = arith.constant 0 : index
        %get3A_134 = tpu.vector_load %arg11[%get3A_132, %get3A_133] {strides = array<i32>} : memref<128x128xf32, #tpu.memory_space<vmem>>, vector<16xf32>,
        %mul3A_135 = arith.mulf %get3A_134, %gather3A_131 : vector<16xf32>
        %swap3A_136 = arith.index_cast %scan3A_130 : i32 to index
        %swap3A_137 = arith.constant 0 : index
        %swap3A_138 = tpu.vector_load %arg11[%swap3A_136, %swap3A_137] {strides = array<i32>} : memref<128x128xf32, #tpu.memory_space<vmem>>, vector<16xf32>,
        tpu.vector_store %arg11[%swap3A_136, %swap3A_137], %mul3A_135 {strides = array<i32>} : memref<128x128xf32, #tpu.memory_space<vmem>>, vector<16xf32>,
        %get3A_139 = arith.index_cast %scan3A_130 : i32 to index
        %get3A_140 = arith.constant 16 : index
        %get3A_141 = tpu.vector_load %arg11[%get3A_139, %get3A_140] {strides = array<i32>} : memref<128x128xf32, #tpu.memory_space<vmem>>, vector<16xf32>,
        %mul3A_142 = arith.mulf %get3A_141, %gather3A_131 : vector<16xf32>
        %swap3A_143 = arith.index_cast %scan3A_130 : i32 to index
        %swap3A_144 = arith.constant 16 : index
        %swap3A_145 = tpu.vector_load %arg11[%swap3A_143, %swap3A_144] {strides = array<i32>} : memref<128x128xf32, #tpu.memory_space<vmem>>, vector<16xf32>,
        tpu.vector_store %arg11[%swap3A_143, %swap3A_144], %mul3A_142 {strides = array<i32>} : memref<128x128xf32, #tpu.memory_space<vmem>>, vector<16xf32>,
        %get3A_146 = arith.index_cast %scan3A_130 : i32 to index
        %get3A_147 = arith.constant 32 : index
        %get3A_148 = tpu.vector_load %arg11[%get3A_146, %get3A_147] {strides = array<i32>} : memref<128x128xf32, #tpu.memory_space<vmem>>, vector<16xf32>,
        %mul3A_149 = arith.mulf %get3A_148, %gather3A_131 : vector<16xf32>
        %swap3A_150 = arith.index_cast %scan3A_130 : i32 to index
        %swap3A_151 = arith.constant 32 : index
        %swap3A_152 = tpu.vector_load %arg11[%swap3A_150, %swap3A_151] {strides = array<i32>} : memref<128x128xf32, #tpu.memory_space<vmem>>, vector<16xf32>,
        tpu.vector_store %arg11[%swap3A_150, %swap3A_151], %mul3A_149 {strides = array<i32>} : memref<128x128xf32, #tpu.memory_space<vmem>>, vector<16xf32>,
        %get3A_153 = arith.index_cast %scan3A_130 : i32 to index
        %get3A_154 = arith.constant 48 : index
        %get3A_155 = tpu.vector_load %arg11[%get3A_153, %get3A_154] {strides = array<i32>} : memref<128x128xf32, #tpu.memory_space<vmem>>, vector<16xf32>,
        %mul3A_156 = arith.mulf %get3A_155, %gather3A_131 : vector<16xf32>
        %swap3A_157 = arith.index_cast %scan3A_130 : i32 to index
        %swap3A_158 = arith.constant 48 : index
        %swap3A_159 = tpu.vector_load %arg11[%swap3A_157, %swap3A_158] {strides = array<i32>} : memref<128x128xf32, #tpu.memory_space<vmem>>, vector<16xf32>,
        tpu.vector_store %arg11[%swap3A_157, %swap3A_158], %mul3A_156 {strides = array<i32>} : memref<128x128xf32, #tpu.memory_space<vmem>>, vector<16xf32>,
        %get3A_160 = arith.index_cast %scan3A_130 : i32 to index
        %get3A_161 = arith.constant 64 : index
        %get3A_162 = tpu.vector_load %arg11[%get3A_160, %get3A_161] {strides = array<i32>} : memref<128x128xf32, #tpu.memory_space<vmem>>, vector<16xf32>,
        %mul3A_163 = arith.mulf %get3A_162, %gather3A_131 : vector<16xf32>
        %swap3A_164 = arith.index_cast %scan3A_130 : i32 to index
        %swap3A_165 = arith.constant 64 : index
        %swap3A_166 = tpu.vector_load %arg11[%swap3A_164, %swap3A_165] {strides = array<i32>} : memref<128x128xf32, #tpu.memory_space<vmem>>, vector<16xf32>,
        tpu.vector_store %arg11[%swap3A_164, %swap3A_165], %mul3A_163 {strides = array<i32>} : memref<128x128xf32, #tpu.memory_space<vmem>>, vector<16xf32>,
        %get3A_167 = arith.index_cast %scan3A_130 : i32 to index
        %get3A_168 = arith.constant 80 : index
        %get3A_169 = tpu.vector_load %arg11[%get3A_167, %get3A_168] {strides = array<i32>} : memref<128x128xf32, #tpu.memory_space<vmem>>, vector<16xf32>,
        %mul3A_170 = arith.mulf %get3A_169, %gather3A_131 : vector<16xf32>
        %swap3A_171 = arith.index_cast %scan3A_130 : i32 to index
        %swap3A_172 = arith.constant 80 : index
        %swap3A_173 = tpu.vector_load %arg11[%swap3A_171, %swap3A_172] {strides = array<i32>} : memref<128x128xf32, #tpu.memory_space<vmem>>, vector<16xf32>,
        tpu.vector_store %arg11[%swap3A_171, %swap3A_172], %mul3A_170 {strides = array<i32>} : memref<128x128xf32, #tpu.memory_space<vmem>>, vector<16xf32>,
        %get3A_174 = arith.index_cast %scan3A_130 : i32 to index
        %get3A_175 = arith.constant 96 : index
        %get3A_176 = tpu.vector_load %arg11[%get3A_174, %get3A_175] {strides = array<i32>} : memref<128x128xf32, #tpu.memory_space<vmem>>, vector<16xf32>,
        %mul3A_177 = arith.mulf %get3A_176, %gather3A_131 : vector<16xf32>
        %swap3A_178 = arith.index_cast %scan3A_130 : i32 to index
        %swap3A_179 = arith.constant 96 : index
        %swap3A_180 = tpu.vector_load %arg11[%swap3A_178, %swap3A_179] {strides = array<i32>} : memref<128x128xf32, #tpu.memory_space<vmem>>, vector<16xf32>,
        tpu.vector_store %arg11[%swap3A_178, %swap3A_179], %mul3A_177 {strides = array<i32>} : memref<128x128xf32, #tpu.memory_space<vmem>>, vector<16xf32>,
        %get3A_181 = arith.index_cast %scan3A_130 : i32 to index
        %get3A_182 = arith.constant 112 : index
        %get3A_183 = tpu.vector_load %arg11[%get3A_181, %get3A_182] {strides = array<i32>} : memref<128x128xf32, #tpu.memory_space<vmem>>, vector<16xf32>,
        %mul3A_184 = arith.mulf %get3A_183, %gather3A_131 : vector<16xf32>
        %swap3A_185 = arith.index_cast %scan3A_130 : i32 to index
        %swap3A_186 = arith.constant 112 : index
        %swap3A_187 = tpu.vector_load %arg11[%swap3A_185, %swap3A_186] {strides = array<i32>} : memref<128x128xf32, #tpu.memory_space<vmem>>, vector<16xf32>,
        tpu.vector_store %arg11[%swap3A_185, %swap3A_186], %mul3A_184 {strides = array<i32>} : memref<128x128xf32, #tpu.memory_space<vmem>>, vector<16xf32>,
        %add3A_188 = arith.constant 1 : i32
        %add3A_189 = vector.broadcast %add3A_188 : i32 to vector<16xi32>
        %add3A_190 = arith.addi %add3A_128, %add3A_189 : vector<16xi32>
        scf.yield %add3A_190 : vector<16xi32>
      }
      %scan3A_57 = arith.constant 128 : i32
      %dma_start3A_58 = arith.constant 0 : i32
      %dma_start3A_59 = tpu.memref_slice %arg9[%scan3A_38, %dma_start3A_58] : memref<79x128xi32, #tpu.memory_space<vmem>> -> memref<1x128xi32, #tpu.memory_space<vmem>>
      %dma_start3A_60 = tpu.memref_squeeze %dma_start3A_59 : memref<1x128xi32, #tpu.memory_space<vmem>> -> memref<128xi32, #tpu.memory_space<vmem>>
      %dma_start3A_61 = arith.constant 0 : i32
      %dma_start3A_62 = arith.constant 0 : i32
      %dma_start3A_63 = tpu.memref_slice %arg7[%dma_start3A_61, %dma_start3A_62] : memref<10112x128xf32, #tpu.memory_space<vmem_shared>> -> memref<10112x128xf32, #tpu.memory_space<vmem_shared>>
      tpu.enqueue_indirect_dma source(%arg11 : memref<128x128xf32, #tpu.memory_space<vmem>>) target(%dma_start3A_63 : memref<10112x128xf32, #tpu.memory_space<vmem_shared>>) offsets(%dma_start3A_60 : memref<128xi32, #tpu.memory_space<vmem>>) semaphore(%arg13 : memref<!tpu.dma_semaphore, #tpu.memory_space<semaphore_mem>>) {add = true}
      %dma_wait3A_64 = arith.constant 0 : i32
      %dma_wait3A_65 = tpu.memref_slice %arg9[%scan3A_38, %dma_wait3A_64] : memref<79x128xi32, #tpu.memory_space<vmem>> -> memref<1x128xi32, #tpu.memory_space<vmem>>
      %dma_wait3A_66 = tpu.memref_squeeze %dma_wait3A_65 : memref<1x128xi32, #tpu.memory_space<vmem>> -> memref<128xi32, #tpu.memory_space<vmem>>
      %dma_wait3A_67 = arith.constant 0 : i32
      %dma_wait3A_68 = arith.constant 0 : i32
      %dma_wait3A_69 = tpu.memref_slice %arg7[%dma_wait3A_67, %dma_wait3A_68] : memref<10112x128xf32, #tpu.memory_space<vmem_shared>> -> memref<10112x128xf32, #tpu.memory_space<vmem_shared>>
      tpu.wait_indirect_dma semaphore(%arg13 : memref<!tpu.dma_semaphore, #tpu.memory_space<semaphore_mem>>) src(%arg11 : memref<128x128xf32, #tpu.memory_space<vmem>>) dst(%dma_wait3A_69 : memref<10112x128xf32, #tpu.memory_space<vmem_shared>>)
    }
    %scan3A_32 = arith.constant 79 : i32
    %barrier3A_33 = arith.constant 0 : index
    tpu.barrier barrier_id(%barrier3A_33)
    %mul3A_34 = arith.constant 632 : i32
    %mul3A_35 = arith.muli %arg1, %mul3A_34 : i32
    %mul3A_36 = arith.constant 632 : i32
    %mul3A_37 = arith.muli %arg1, %mul3A_36 : i32
    "tpu.region"() ({
      %run_scoped3A = tpu.sem_alloc : memref<!tpu.dma_semaphore, #tpu.memory_space<semaphore_mem>>
      %dma_start3A = arith.constant 0 : i32
      %dma_start3A_38 = tpu.memref_slice %arg6[%arg0, %mul3A_37, %dma_start3A] : memref<2x10112x128xf32, #tpu.memory_space<hbm>> -> memref<1x632x128xf32, #tpu.memory_space<hbm>>
      %dma_start3A_39 = tpu.memref_squeeze %dma_start3A_38 : memref<1x632x128xf32, #tpu.memory_space<hbm>> -> memref<632x128xf32, #tpu.memory_space<hbm>>
      %dma_start3A_40 = arith.constant 0 : i32
      %dma_start3A_41 = tpu.memref_slice %arg7[%mul3A_35, %dma_start3A_40] : memref<10112x128xf32, #tpu.memory_space<vmem_shared>> -> memref<632x128xf32, #tpu.memory_space<vmem_shared>>
      tpu.enqueue_dma source(%dma_start3A_41 : memref<632x128xf32, #tpu.memory_space<vmem_shared>>) target(%dma_start3A_39 : memref<632x128xf32, #tpu.memory_space<hbm>>) target_semaphore(%run_scoped3A : memref<!tpu.dma_semaphore, #tpu.memory_space<semaphore_mem>>)
      %dma_wait3A = arith.constant 0 : i32
      %dma_wait3A_42 = tpu.memref_slice %arg6[%arg0, %mul3A_37, %dma_wait3A] : memref<2x10112x128xf32, #tpu.memory_space<hbm>> -> memref<1x632x128xf32, #tpu.memory_space<hbm>>
      %dma_wait3A_43 = tpu.memref_squeeze %dma_wait3A_42 : memref<1x632x128xf32, #tpu.memory_space<hbm>> -> memref<632x128xf32, #tpu.memory_space<hbm>>
      %dma_wait3A_44 = arith.constant 0 : i32
      %dma_wait3A_45 = tpu.memref_slice %arg7[%mul3A_35, %dma_wait3A_44] : memref<10112x128xf32, #tpu.memory_space<vmem_shared>> -> memref<632x128xf32, #tpu.memory_space<vmem_shared>>
      tpu.wait_dma2 semaphore(%run_scoped3A : memref<!tpu.dma_semaphore, #tpu.memory_space<semaphore_mem>>) src(%dma_wait3A_45 : memref<632x128xf32, #tpu.memory_space<vmem_shared>>) dst(%dma_wait3A_43 : memref<632x128xf32, #tpu.memory_space<hbm>>)
      tpu.yield
    }) : () -> ()
    return
  }
}

#map = affine_map<(d0, d1) -> (0, 0)>
#map1 = affine_map<(d0, d1) -> (0, 0, 0)>
module attributes {stable_mosaic.version = 14 : i64} {
  func.func @_edge_layer_body(%arg0: i32, %arg1: i32, %arg2: memref<10112x128xf32, #tpu.memory_space<hbm>>, %arg3: memref<32x79x128xi32, #tpu.memory_space<hbm>>, %arg4: memref<32x79x128xi32, #tpu.memory_space<hbm>>, %arg5: memref<32x10112xf32, #tpu.memory_space<hbm>>, %arg6: memref<2x10112x128xf32, #tpu.memory_space<hbm>>, %arg7: memref<10112x128xf32, #tpu.memory_space<vmem_shared>>, %arg8: memref<79x128xi32, #tpu.memory_space<vmem>>, %arg9: memref<79x128xi32, #tpu.memory_space<vmem>>, %arg10: memref<10112xf32, #tpu.memory_space<vmem>>, %arg11: memref<128x128xf32, #tpu.memory_space<vmem>>, %arg12: memref<!tpu.dma_semaphore, #tpu.memory_space<semaphore_mem>>, %arg13: memref<!tpu.dma_semaphore, #tpu.memory_space<semaphore_mem>>) attributes {dimension_semantics = [#tpu.dimension_semantics<core_parallel>, #tpu.dimension_semantics<subcore_parallel>], iteration_bounds = array<i64: 2, 16>, scalar_prefetch = 0 : i64, scratch_operands = 7 : i64, tpu.core_type = #tpu.core_type<sc_vector_subcore>, window_params = [{transform_indices = #map}, {transform_indices = #map1}, {transform_indices = #map1}, {transform_indices = #map}, {transform_indices = #map1}]} {
    %mul3A = arith.constant 2 : i32
    %mul3A_0 = arith.muli %arg1, %mul3A : i32
    %add3A = arith.addi %mul3A_0, %arg0 : i32
    %broadcast_in_dim3A = arith.constant 0.000000e+00 : f32
    %broadcast_in_dim3A_1 = vector.broadcast %broadcast_in_dim3A : f32 to vector<16xf32>
    %scan3A = arith.constant 0 : i32
    %scan3A_2 = arith.constant 0 : i32
    %scan3A_3 = arith.constant 128 : i32
    %scan3A_4 = arith.addi %scan3A_2, %scan3A_3 : i32
    %scan3A_5 = arith.constant 1 : i32
    scf.for %scan3A_38 = %scan3A_2 to %scan3A_4 step %scan3A_5  : i32 {
      %swap3A = arith.index_cast %scan3A_38 : i32 to index
      %swap3A_39 = arith.constant 0 : index
      %swap3A_40 = tpu.vector_load %arg11[%swap3A, %swap3A_39] {strides = array<i32>} : memref<128x128xf32, #tpu.memory_space<vmem>>, vector<16xf32>,
      tpu.vector_store %arg11[%swap3A, %swap3A_39], %broadcast_in_dim3A_1 {strides = array<i32>} : memref<128x128xf32, #tpu.memory_space<vmem>>, vector<16xf32>,
      %swap3A_41 = arith.index_cast %scan3A_38 : i32 to index
      %swap3A_42 = arith.constant 16 : index
      %swap3A_43 = tpu.vector_load %arg11[%swap3A_41, %swap3A_42] {strides = array<i32>} : memref<128x128xf32, #tpu.memory_space<vmem>>, vector<16xf32>,
      tpu.vector_store %arg11[%swap3A_41, %swap3A_42], %broadcast_in_dim3A_1 {strides = array<i32>} : memref<128x128xf32, #tpu.memory_space<vmem>>, vector<16xf32>,
      %swap3A_44 = arith.index_cast %scan3A_38 : i32 to index
      %swap3A_45 = arith.constant 32 : index
      %swap3A_46 = tpu.vector_load %arg11[%swap3A_44, %swap3A_45] {strides = array<i32>} : memref<128x128xf32, #tpu.memory_space<vmem>>, vector<16xf32>,
      tpu.vector_store %arg11[%swap3A_44, %swap3A_45], %broadcast_in_dim3A_1 {strides = array<i32>} : memref<128x128xf32, #tpu.memory_space<vmem>>, vector<16xf32>,
      %swap3A_47 = arith.index_cast %scan3A_38 : i32 to index
      %swap3A_48 = arith.constant 48 : index
      %swap3A_49 = tpu.vector_load %arg11[%swap3A_47, %swap3A_48] {strides = array<i32>} : memref<128x128xf32, #tpu.memory_space<vmem>>, vector<16xf32>,
      tpu.vector_store %arg11[%swap3A_47, %swap3A_48], %broadcast_in_dim3A_1 {strides = array<i32>} : memref<128x128xf32, #tpu.memory_space<vmem>>, vector<16xf32>,
      %swap3A_50 = arith.index_cast %scan3A_38 : i32 to index
      %swap3A_51 = arith.constant 64 : index
      %swap3A_52 = tpu.vector_load %arg11[%swap3A_50, %swap3A_51] {strides = array<i32>} : memref<128x128xf32, #tpu.memory_space<vmem>>, vector<16xf32>,
      tpu.vector_store %arg11[%swap3A_50, %swap3A_51], %broadcast_in_dim3A_1 {strides = array<i32>} : memref<128x128xf32, #tpu.memory_space<vmem>>, vector<16xf32>,
      %swap3A_53 = arith.index_cast %scan3A_38 : i32 to index
      %swap3A_54 = arith.constant 80 : index
      %swap3A_55 = tpu.vector_load %arg11[%swap3A_53, %swap3A_54] {strides = array<i32>} : memref<128x128xf32, #tpu.memory_space<vmem>>, vector<16xf32>,
      tpu.vector_store %arg11[%swap3A_53, %swap3A_54], %broadcast_in_dim3A_1 {strides = array<i32>} : memref<128x128xf32, #tpu.memory_space<vmem>>, vector<16xf32>,
      %swap3A_56 = arith.index_cast %scan3A_38 : i32 to index
      %swap3A_57 = arith.constant 96 : index
      %swap3A_58 = tpu.vector_load %arg11[%swap3A_56, %swap3A_57] {strides = array<i32>} : memref<128x128xf32, #tpu.memory_space<vmem>>, vector<16xf32>,
      tpu.vector_store %arg11[%swap3A_56, %swap3A_57], %broadcast_in_dim3A_1 {strides = array<i32>} : memref<128x128xf32, #tpu.memory_space<vmem>>, vector<16xf32>,
      %swap3A_59 = arith.index_cast %scan3A_38 : i32 to index
      %swap3A_60 = arith.constant 112 : index
      %swap3A_61 = tpu.vector_load %arg11[%swap3A_59, %swap3A_60] {strides = array<i32>} : memref<128x128xf32, #tpu.memory_space<vmem>>, vector<16xf32>,
      tpu.vector_store %arg11[%swap3A_59, %swap3A_60], %broadcast_in_dim3A_1 {strides = array<i32>} : memref<128x128xf32, #tpu.memory_space<vmem>>, vector<16xf32>,
    }
    %scan3A_6 = arith.constant 128 : i32
    %mul3A_7 = arith.constant 632 : i32
    %mul3A_8 = arith.muli %arg1, %mul3A_7 : i32
    %add3A_9 = arith.constant 0 : i32
    %add3A_10 = arith.addi %mul3A_8, %add3A_9 : i32
    "tpu.region"() ({
      %run_scoped3A = tpu.sem_alloc : memref<!tpu.dma_semaphore, #tpu.memory_space<semaphore_mem>>
      %dma_start3A = arith.constant 0 : i32
      %dma_start3A_38 = arith.constant 0 : i32
      %dma_start3A_39 = tpu.memref_slice %arg11[%dma_start3A, %dma_start3A_38] : memref<128x128xf32, #tpu.memory_space<vmem>> -> memref<128x128xf32, #tpu.memory_space<vmem>>
      %dma_start3A_40 = arith.constant 0 : i32
      %dma_start3A_41 = tpu.memref_slice %arg7[%add3A_10, %dma_start3A_40] : memref<10112x128xf32, #tpu.memory_space<vmem_shared>> -> memref<128x128xf32, #tpu.memory_space<vmem_shared>>
      %dma_start3A_42 = arith.constant 0 : i32
      %dma_start3A_43 = tpu.memref_slice %arg7[%add3A_10, %dma_start3A_42] : memref<10112x128xf32, #tpu.memory_space<vmem_shared>> -> memref<128x128xf32, #tpu.memory_space<vmem_shared>>
      %dma_start3A_44 = arith.constant 0 : i32
      %dma_start3A_45 = arith.constant 0 : i32
      %dma_start3A_46 = tpu.memref_slice %arg11[%dma_start3A_44, %dma_start3A_45] : memref<128x128xf32, #tpu.memory_space<vmem>> -> memref<128x128xf32, #tpu.memory_space<vmem>>
      tpu.enqueue_dma source(%dma_start3A_46 : memref<128x128xf32, #tpu.memory_space<vmem>>) target(%dma_start3A_43 : memref<128x128xf32, #tpu.memory_space<vmem_shared>>) target_semaphore(%run_scoped3A : memref<!tpu.dma_semaphore, #tpu.memory_space<semaphore_mem>>)
      %dma_wait3A = arith.constant 0 : i32
      %dma_wait3A_47 = arith.constant 0 : i32
      %dma_wait3A_48 = tpu.memref_slice %arg11[%dma_wait3A, %dma_wait3A_47] : memref<128x128xf32, #tpu.memory_space<vmem>> -> memref<128x128xf32, #tpu.memory_space<vmem>>
      %dma_wait3A_49 = arith.constant 0 : i32
      %dma_wait3A_50 = tpu.memref_slice %arg7[%add3A_10, %dma_wait3A_49] : memref<10112x128xf32, #tpu.memory_space<vmem_shared>> -> memref<128x128xf32, #tpu.memory_space<vmem_shared>>
      %dma_wait3A_51 = arith.constant 0 : i32
      %dma_wait3A_52 = tpu.memref_slice %arg7[%add3A_10, %dma_wait3A_51] : memref<10112x128xf32, #tpu.memory_space<vmem_shared>> -> memref<128x128xf32, #tpu.memory_space<vmem_shared>>
      %dma_wait3A_53 = arith.constant 0 : i32
      %dma_wait3A_54 = arith.constant 0 : i32
      %dma_wait3A_55 = tpu.memref_slice %arg11[%dma_wait3A_53, %dma_wait3A_54] : memref<128x128xf32, #tpu.memory_space<vmem>> -> memref<128x128xf32, #tpu.memory_space<vmem>>
      tpu.wait_dma2 semaphore(%run_scoped3A : memref<!tpu.dma_semaphore, #tpu.memory_space<semaphore_mem>>) src(%dma_wait3A_55 : memref<128x128xf32, #tpu.memory_space<vmem>>) dst(%dma_wait3A_52 : memref<128x128xf32, #tpu.memory_space<vmem_shared>>)
      tpu.yield
    }) : () -> ()
    %mul3A_11 = arith.constant 632 : i32
    %mul3A_12 = arith.muli %arg1, %mul3A_11 : i32
    %add3A_13 = arith.constant 128 : i32
    %add3A_14 = arith.addi %mul3A_12, %add3A_13 : i32
    "tpu.region"() ({
      %run_scoped3A = tpu.sem_alloc : memref<!tpu.dma_semaphore, #tpu.memory_space<semaphore_mem>>
      %dma_start3A = arith.constant 0 : i32
      %dma_start3A_38 = arith.constant 0 : i32
      %dma_start3A_39 = tpu.memref_slice %arg11[%dma_start3A, %dma_start3A_38] : memref<128x128xf32, #tpu.memory_space<vmem>> -> memref<128x128xf32, #tpu.memory_space<vmem>>
      %dma_start3A_40 = arith.constant 0 : i32
      %dma_start3A_41 = tpu.memref_slice %arg7[%add3A_14, %dma_start3A_40] : memref<10112x128xf32, #tpu.memory_space<vmem_shared>> -> memref<128x128xf32, #tpu.memory_space<vmem_shared>>
      %dma_start3A_42 = arith.constant 0 : i32
      %dma_start3A_43 = tpu.memref_slice %arg7[%add3A_14, %dma_start3A_42] : memref<10112x128xf32, #tpu.memory_space<vmem_shared>> -> memref<128x128xf32, #tpu.memory_space<vmem_shared>>
      %dma_start3A_44 = arith.constant 0 : i32
      %dma_start3A_45 = arith.constant 0 : i32
      %dma_start3A_46 = tpu.memref_slice %arg11[%dma_start3A_44, %dma_start3A_45] : memref<128x128xf32, #tpu.memory_space<vmem>> -> memref<128x128xf32, #tpu.memory_space<vmem>>
      tpu.enqueue_dma source(%dma_start3A_46 : memref<128x128xf32, #tpu.memory_space<vmem>>) target(%dma_start3A_43 : memref<128x128xf32, #tpu.memory_space<vmem_shared>>) target_semaphore(%run_scoped3A : memref<!tpu.dma_semaphore, #tpu.memory_space<semaphore_mem>>)
      %dma_wait3A = arith.constant 0 : i32
      %dma_wait3A_47 = arith.constant 0 : i32
      %dma_wait3A_48 = tpu.memref_slice %arg11[%dma_wait3A, %dma_wait3A_47] : memref<128x128xf32, #tpu.memory_space<vmem>> -> memref<128x128xf32, #tpu.memory_space<vmem>>
      %dma_wait3A_49 = arith.constant 0 : i32
      %dma_wait3A_50 = tpu.memref_slice %arg7[%add3A_14, %dma_wait3A_49] : memref<10112x128xf32, #tpu.memory_space<vmem_shared>> -> memref<128x128xf32, #tpu.memory_space<vmem_shared>>
      %dma_wait3A_51 = arith.constant 0 : i32
      %dma_wait3A_52 = tpu.memref_slice %arg7[%add3A_14, %dma_wait3A_51] : memref<10112x128xf32, #tpu.memory_space<vmem_shared>> -> memref<128x128xf32, #tpu.memory_space<vmem_shared>>
      %dma_wait3A_53 = arith.constant 0 : i32
      %dma_wait3A_54 = arith.constant 0 : i32
      %dma_wait3A_55 = tpu.memref_slice %arg11[%dma_wait3A_53, %dma_wait3A_54] : memref<128x128xf32, #tpu.memory_space<vmem>> -> memref<128x128xf32, #tpu.memory_space<vmem>>
      tpu.wait_dma2 semaphore(%run_scoped3A : memref<!tpu.dma_semaphore, #tpu.memory_space<semaphore_mem>>) src(%dma_wait3A_55 : memref<128x128xf32, #tpu.memory_space<vmem>>) dst(%dma_wait3A_52 : memref<128x128xf32, #tpu.memory_space<vmem_shared>>)
      tpu.yield
    }) : () -> ()
    %mul3A_15 = arith.constant 632 : i32
    %mul3A_16 = arith.muli %arg1, %mul3A_15 : i32
    %add3A_17 = arith.constant 256 : i32
    %add3A_18 = arith.addi %mul3A_16, %add3A_17 : i32
    "tpu.region"() ({
      %run_scoped3A = tpu.sem_alloc : memref<!tpu.dma_semaphore, #tpu.memory_space<semaphore_mem>>
      %dma_start3A = arith.constant 0 : i32
      %dma_start3A_38 = arith.constant 0 : i32
      %dma_start3A_39 = tpu.memref_slice %arg11[%dma_start3A, %dma_start3A_38] : memref<128x128xf32, #tpu.memory_space<vmem>> -> memref<128x128xf32, #tpu.memory_space<vmem>>
      %dma_start3A_40 = arith.constant 0 : i32
      %dma_start3A_41 = tpu.memref_slice %arg7[%add3A_18, %dma_start3A_40] : memref<10112x128xf32, #tpu.memory_space<vmem_shared>> -> memref<128x128xf32, #tpu.memory_space<vmem_shared>>
      %dma_start3A_42 = arith.constant 0 : i32
      %dma_start3A_43 = tpu.memref_slice %arg7[%add3A_18, %dma_start3A_42] : memref<10112x128xf32, #tpu.memory_space<vmem_shared>> -> memref<128x128xf32, #tpu.memory_space<vmem_shared>>
      %dma_start3A_44 = arith.constant 0 : i32
      %dma_start3A_45 = arith.constant 0 : i32
      %dma_start3A_46 = tpu.memref_slice %arg11[%dma_start3A_44, %dma_start3A_45] : memref<128x128xf32, #tpu.memory_space<vmem>> -> memref<128x128xf32, #tpu.memory_space<vmem>>
      tpu.enqueue_dma source(%dma_start3A_46 : memref<128x128xf32, #tpu.memory_space<vmem>>) target(%dma_start3A_43 : memref<128x128xf32, #tpu.memory_space<vmem_shared>>) target_semaphore(%run_scoped3A : memref<!tpu.dma_semaphore, #tpu.memory_space<semaphore_mem>>)
      %dma_wait3A = arith.constant 0 : i32
      %dma_wait3A_47 = arith.constant 0 : i32
      %dma_wait3A_48 = tpu.memref_slice %arg11[%dma_wait3A, %dma_wait3A_47] : memref<128x128xf32, #tpu.memory_space<vmem>> -> memref<128x128xf32, #tpu.memory_space<vmem>>
      %dma_wait3A_49 = arith.constant 0 : i32
      %dma_wait3A_50 = tpu.memref_slice %arg7[%add3A_18, %dma_wait3A_49] : memref<10112x128xf32, #tpu.memory_space<vmem_shared>> -> memref<128x128xf32, #tpu.memory_space<vmem_shared>>
      %dma_wait3A_51 = arith.constant 0 : i32
      %dma_wait3A_52 = tpu.memref_slice %arg7[%add3A_18, %dma_wait3A_51] : memref<10112x128xf32, #tpu.memory_space<vmem_shared>> -> memref<128x128xf32, #tpu.memory_space<vmem_shared>>
      %dma_wait3A_53 = arith.constant 0 : i32
      %dma_wait3A_54 = arith.constant 0 : i32
      %dma_wait3A_55 = tpu.memref_slice %arg11[%dma_wait3A_53, %dma_wait3A_54] : memref<128x128xf32, #tpu.memory_space<vmem>> -> memref<128x128xf32, #tpu.memory_space<vmem>>
      tpu.wait_dma2 semaphore(%run_scoped3A : memref<!tpu.dma_semaphore, #tpu.memory_space<semaphore_mem>>) src(%dma_wait3A_55 : memref<128x128xf32, #tpu.memory_space<vmem>>) dst(%dma_wait3A_52 : memref<128x128xf32, #tpu.memory_space<vmem_shared>>)
      tpu.yield
    }) : () -> ()
    %mul3A_19 = arith.constant 632 : i32
    %mul3A_20 = arith.muli %arg1, %mul3A_19 : i32
    %add3A_21 = arith.constant 384 : i32
    %add3A_22 = arith.addi %mul3A_20, %add3A_21 : i32
    "tpu.region"() ({
      %run_scoped3A = tpu.sem_alloc : memref<!tpu.dma_semaphore, #tpu.memory_space<semaphore_mem>>
      %dma_start3A = arith.constant 0 : i32
      %dma_start3A_38 = arith.constant 0 : i32
      %dma_start3A_39 = tpu.memref_slice %arg11[%dma_start3A, %dma_start3A_38] : memref<128x128xf32, #tpu.memory_space<vmem>> -> memref<128x128xf32, #tpu.memory_space<vmem>>
      %dma_start3A_40 = arith.constant 0 : i32
      %dma_start3A_41 = tpu.memref_slice %arg7[%add3A_22, %dma_start3A_40] : memref<10112x128xf32, #tpu.memory_space<vmem_shared>> -> memref<128x128xf32, #tpu.memory_space<vmem_shared>>
      %dma_start3A_42 = arith.constant 0 : i32
      %dma_start3A_43 = tpu.memref_slice %arg7[%add3A_22, %dma_start3A_42] : memref<10112x128xf32, #tpu.memory_space<vmem_shared>> -> memref<128x128xf32, #tpu.memory_space<vmem_shared>>
      %dma_start3A_44 = arith.constant 0 : i32
      %dma_start3A_45 = arith.constant 0 : i32
      %dma_start3A_46 = tpu.memref_slice %arg11[%dma_start3A_44, %dma_start3A_45] : memref<128x128xf32, #tpu.memory_space<vmem>> -> memref<128x128xf32, #tpu.memory_space<vmem>>
      tpu.enqueue_dma source(%dma_start3A_46 : memref<128x128xf32, #tpu.memory_space<vmem>>) target(%dma_start3A_43 : memref<128x128xf32, #tpu.memory_space<vmem_shared>>) target_semaphore(%run_scoped3A : memref<!tpu.dma_semaphore, #tpu.memory_space<semaphore_mem>>)
      %dma_wait3A = arith.constant 0 : i32
      %dma_wait3A_47 = arith.constant 0 : i32
      %dma_wait3A_48 = tpu.memref_slice %arg11[%dma_wait3A, %dma_wait3A_47] : memref<128x128xf32, #tpu.memory_space<vmem>> -> memref<128x128xf32, #tpu.memory_space<vmem>>
      %dma_wait3A_49 = arith.constant 0 : i32
      %dma_wait3A_50 = tpu.memref_slice %arg7[%add3A_22, %dma_wait3A_49] : memref<10112x128xf32, #tpu.memory_space<vmem_shared>> -> memref<128x128xf32, #tpu.memory_space<vmem_shared>>
      %dma_wait3A_51 = arith.constant 0 : i32
      %dma_wait3A_52 = tpu.memref_slice %arg7[%add3A_22, %dma_wait3A_51] : memref<10112x128xf32, #tpu.memory_space<vmem_shared>> -> memref<128x128xf32, #tpu.memory_space<vmem_shared>>
      %dma_wait3A_53 = arith.constant 0 : i32
      %dma_wait3A_54 = arith.constant 0 : i32
      %dma_wait3A_55 = tpu.memref_slice %arg11[%dma_wait3A_53, %dma_wait3A_54] : memref<128x128xf32, #tpu.memory_space<vmem>> -> memref<128x128xf32, #tpu.memory_space<vmem>>
      tpu.wait_dma2 semaphore(%run_scoped3A : memref<!tpu.dma_semaphore, #tpu.memory_space<semaphore_mem>>) src(%dma_wait3A_55 : memref<128x128xf32, #tpu.memory_space<vmem>>) dst(%dma_wait3A_52 : memref<128x128xf32, #tpu.memory_space<vmem_shared>>)
      tpu.yield
    }) : () -> ()
    %mul3A_23 = arith.constant 632 : i32
    %mul3A_24 = arith.muli %arg1, %mul3A_23 : i32
    %add3A_25 = arith.constant 512 : i32
    %add3A_26 = arith.addi %mul3A_24, %add3A_25 : i32
    "tpu.region"() ({
      %run_scoped3A = tpu.sem_alloc : memref<!tpu.dma_semaphore, #tpu.memory_space<semaphore_mem>>
      %dma_start3A = arith.constant 0 : i32
      %dma_start3A_38 = arith.constant 0 : i32
      %dma_start3A_39 = tpu.memref_slice %arg11[%dma_start3A, %dma_start3A_38] : memref<128x128xf32, #tpu.memory_space<vmem>> -> memref<120x128xf32, #tpu.memory_space<vmem>>
      %dma_start3A_40 = arith.constant 0 : i32
      %dma_start3A_41 = tpu.memref_slice %arg7[%add3A_26, %dma_start3A_40] : memref<10112x128xf32, #tpu.memory_space<vmem_shared>> -> memref<120x128xf32, #tpu.memory_space<vmem_shared>>
      %dma_start3A_42 = arith.constant 0 : i32
      %dma_start3A_43 = tpu.memref_slice %arg7[%add3A_26, %dma_start3A_42] : memref<10112x128xf32, #tpu.memory_space<vmem_shared>> -> memref<120x128xf32, #tpu.memory_space<vmem_shared>>
      %dma_start3A_44 = arith.constant 0 : i32
      %dma_start3A_45 = arith.constant 0 : i32
      %dma_start3A_46 = tpu.memref_slice %arg11[%dma_start3A_44, %dma_start3A_45] : memref<128x128xf32, #tpu.memory_space<vmem>> -> memref<120x128xf32, #tpu.memory_space<vmem>>
      tpu.enqueue_dma source(%dma_start3A_46 : memref<120x128xf32, #tpu.memory_space<vmem>>) target(%dma_start3A_43 : memref<120x128xf32, #tpu.memory_space<vmem_shared>>) target_semaphore(%run_scoped3A : memref<!tpu.dma_semaphore, #tpu.memory_space<semaphore_mem>>)
      %dma_wait3A = arith.constant 0 : i32
      %dma_wait3A_47 = arith.constant 0 : i32
      %dma_wait3A_48 = tpu.memref_slice %arg11[%dma_wait3A, %dma_wait3A_47] : memref<128x128xf32, #tpu.memory_space<vmem>> -> memref<120x128xf32, #tpu.memory_space<vmem>>
      %dma_wait3A_49 = arith.constant 0 : i32
      %dma_wait3A_50 = tpu.memref_slice %arg7[%add3A_26, %dma_wait3A_49] : memref<10112x128xf32, #tpu.memory_space<vmem_shared>> -> memref<120x128xf32, #tpu.memory_space<vmem_shared>>
      %dma_wait3A_51 = arith.constant 0 : i32
      %dma_wait3A_52 = tpu.memref_slice %arg7[%add3A_26, %dma_wait3A_51] : memref<10112x128xf32, #tpu.memory_space<vmem_shared>> -> memref<120x128xf32, #tpu.memory_space<vmem_shared>>
      %dma_wait3A_53 = arith.constant 0 : i32
      %dma_wait3A_54 = arith.constant 0 : i32
      %dma_wait3A_55 = tpu.memref_slice %arg11[%dma_wait3A_53, %dma_wait3A_54] : memref<128x128xf32, #tpu.memory_space<vmem>> -> memref<120x128xf32, #tpu.memory_space<vmem>>
      tpu.wait_dma2 semaphore(%run_scoped3A : memref<!tpu.dma_semaphore, #tpu.memory_space<semaphore_mem>>) src(%dma_wait3A_55 : memref<120x128xf32, #tpu.memory_space<vmem>>) dst(%dma_wait3A_52 : memref<120x128xf32, #tpu.memory_space<vmem_shared>>)
      tpu.yield
    }) : () -> ()
    %barrier3A = arith.constant 0 : index
    tpu.barrier barrier_id(%barrier3A)
    "tpu.region"() ({
      %run_scoped3A = tpu.sem_alloc : memref<!tpu.dma_semaphore, #tpu.memory_space<semaphore_mem>>
      %dma_start3A = arith.constant 0 : i32
      %dma_start3A_38 = arith.constant 0 : i32
      %dma_start3A_39 = tpu.memref_slice %arg3[%add3A, %dma_start3A, %dma_start3A_38] : memref<32x79x128xi32, #tpu.memory_space<hbm>> -> memref<1x79x128xi32, #tpu.memory_space<hbm>>
      %dma_start3A_40 = tpu.memref_squeeze %dma_start3A_39 : memref<1x79x128xi32, #tpu.memory_space<hbm>> -> memref<79x128xi32, #tpu.memory_space<hbm>>
      %dma_start3A_41 = arith.constant 0 : i32
      %dma_start3A_42 = arith.constant 0 : i32
      %dma_start3A_43 = tpu.memref_slice %arg3[%add3A, %dma_start3A_41, %dma_start3A_42] : memref<32x79x128xi32, #tpu.memory_space<hbm>> -> memref<1x79x128xi32, #tpu.memory_space<hbm>>
      %dma_start3A_44 = tpu.memref_squeeze %dma_start3A_43 : memref<1x79x128xi32, #tpu.memory_space<hbm>> -> memref<79x128xi32, #tpu.memory_space<hbm>>
      tpu.enqueue_dma source(%dma_start3A_44 : memref<79x128xi32, #tpu.memory_space<hbm>>) target(%arg8 : memref<79x128xi32, #tpu.memory_space<vmem>>) target_semaphore(%run_scoped3A : memref<!tpu.dma_semaphore, #tpu.memory_space<semaphore_mem>>)
      %dma_wait3A = arith.constant 0 : i32
      %dma_wait3A_45 = arith.constant 0 : i32
      %dma_wait3A_46 = tpu.memref_slice %arg3[%add3A, %dma_wait3A, %dma_wait3A_45] : memref<32x79x128xi32, #tpu.memory_space<hbm>> -> memref<1x79x128xi32, #tpu.memory_space<hbm>>
      %dma_wait3A_47 = tpu.memref_squeeze %dma_wait3A_46 : memref<1x79x128xi32, #tpu.memory_space<hbm>> -> memref<79x128xi32, #tpu.memory_space<hbm>>
      %dma_wait3A_48 = arith.constant 0 : i32
      %dma_wait3A_49 = arith.constant 0 : i32
      %dma_wait3A_50 = tpu.memref_slice %arg3[%add3A, %dma_wait3A_48, %dma_wait3A_49] : memref<32x79x128xi32, #tpu.memory_space<hbm>> -> memref<1x79x128xi32, #tpu.memory_space<hbm>>
      %dma_wait3A_51 = tpu.memref_squeeze %dma_wait3A_50 : memref<1x79x128xi32, #tpu.memory_space<hbm>> -> memref<79x128xi32, #tpu.memory_space<hbm>>
      tpu.wait_dma2 semaphore(%run_scoped3A : memref<!tpu.dma_semaphore, #tpu.memory_space<semaphore_mem>>) src(%dma_wait3A_51 : memref<79x128xi32, #tpu.memory_space<hbm>>) dst(%arg8 : memref<79x128xi32, #tpu.memory_space<vmem>>)
      tpu.yield
    }) : () -> ()
    "tpu.region"() ({
      %run_scoped3A = tpu.sem_alloc : memref<!tpu.dma_semaphore, #tpu.memory_space<semaphore_mem>>
      %dma_start3A = arith.constant 0 : i32
      %dma_start3A_38 = arith.constant 0 : i32
      %dma_start3A_39 = tpu.memref_slice %arg4[%add3A, %dma_start3A, %dma_start3A_38] : memref<32x79x128xi32, #tpu.memory_space<hbm>> -> memref<1x79x128xi32, #tpu.memory_space<hbm>>
      %dma_start3A_40 = tpu.memref_squeeze %dma_start3A_39 : memref<1x79x128xi32, #tpu.memory_space<hbm>> -> memref<79x128xi32, #tpu.memory_space<hbm>>
      %dma_start3A_41 = arith.constant 0 : i32
      %dma_start3A_42 = arith.constant 0 : i32
      %dma_start3A_43 = tpu.memref_slice %arg4[%add3A, %dma_start3A_41, %dma_start3A_42] : memref<32x79x128xi32, #tpu.memory_space<hbm>> -> memref<1x79x128xi32, #tpu.memory_space<hbm>>
      %dma_start3A_44 = tpu.memref_squeeze %dma_start3A_43 : memref<1x79x128xi32, #tpu.memory_space<hbm>> -> memref<79x128xi32, #tpu.memory_space<hbm>>
      tpu.enqueue_dma source(%dma_start3A_44 : memref<79x128xi32, #tpu.memory_space<hbm>>) target(%arg9 : memref<79x128xi32, #tpu.memory_space<vmem>>) target_semaphore(%run_scoped3A : memref<!tpu.dma_semaphore, #tpu.memory_space<semaphore_mem>>)
      %dma_wait3A = arith.constant 0 : i32
      %dma_wait3A_45 = arith.constant 0 : i32
      %dma_wait3A_46 = tpu.memref_slice %arg4[%add3A, %dma_wait3A, %dma_wait3A_45] : memref<32x79x128xi32, #tpu.memory_space<hbm>> -> memref<1x79x128xi32, #tpu.memory_space<hbm>>
      %dma_wait3A_47 = tpu.memref_squeeze %dma_wait3A_46 : memref<1x79x128xi32, #tpu.memory_space<hbm>> -> memref<79x128xi32, #tpu.memory_space<hbm>>
      %dma_wait3A_48 = arith.constant 0 : i32
      %dma_wait3A_49 = arith.constant 0 : i32
      %dma_wait3A_50 = tpu.memref_slice %arg4[%add3A, %dma_wait3A_48, %dma_wait3A_49] : memref<32x79x128xi32, #tpu.memory_space<hbm>> -> memref<1x79x128xi32, #tpu.memory_space<hbm>>
      %dma_wait3A_51 = tpu.memref_squeeze %dma_wait3A_50 : memref<1x79x128xi32, #tpu.memory_space<hbm>> -> memref<79x128xi32, #tpu.memory_space<hbm>>
      tpu.wait_dma2 semaphore(%run_scoped3A : memref<!tpu.dma_semaphore, #tpu.memory_space<semaphore_mem>>) src(%dma_wait3A_51 : memref<79x128xi32, #tpu.memory_space<hbm>>) dst(%arg9 : memref<79x128xi32, #tpu.memory_space<vmem>>)
      tpu.yield
    }) : () -> ()
    "tpu.region"() ({
      %run_scoped3A = tpu.sem_alloc : memref<!tpu.dma_semaphore, #tpu.memory_space<semaphore_mem>>
      %dma_start3A = arith.constant 0 : i32
      %dma_start3A_38 = tpu.memref_slice %arg5[%add3A, %dma_start3A] : memref<32x10112xf32, #tpu.memory_space<hbm>> -> memref<1x10112xf32, #tpu.memory_space<hbm>>
      %dma_start3A_39 = tpu.memref_squeeze %dma_start3A_38 : memref<1x10112xf32, #tpu.memory_space<hbm>> -> memref<10112xf32, #tpu.memory_space<hbm>>
      %dma_start3A_40 = arith.constant 0 : i32
      %dma_start3A_41 = tpu.memref_slice %arg5[%add3A, %dma_start3A_40] : memref<32x10112xf32, #tpu.memory_space<hbm>> -> memref<1x10112xf32, #tpu.memory_space<hbm>>
      %dma_start3A_42 = tpu.memref_squeeze %dma_start3A_41 : memref<1x10112xf32, #tpu.memory_space<hbm>> -> memref<10112xf32, #tpu.memory_space<hbm>>
      tpu.enqueue_dma source(%dma_start3A_42 : memref<10112xf32, #tpu.memory_space<hbm>>) target(%arg10 : memref<10112xf32, #tpu.memory_space<vmem>>) target_semaphore(%run_scoped3A : memref<!tpu.dma_semaphore, #tpu.memory_space<semaphore_mem>>)
      %dma_wait3A = arith.constant 0 : i32
      %dma_wait3A_43 = tpu.memref_slice %arg5[%add3A, %dma_wait3A] : memref<32x10112xf32, #tpu.memory_space<hbm>> -> memref<1x10112xf32, #tpu.memory_space<hbm>>
      %dma_wait3A_44 = tpu.memref_squeeze %dma_wait3A_43 : memref<1x10112xf32, #tpu.memory_space<hbm>> -> memref<10112xf32, #tpu.memory_space<hbm>>
      %dma_wait3A_45 = arith.constant 0 : i32
      %dma_wait3A_46 = tpu.memref_slice %arg5[%add3A, %dma_wait3A_45] : memref<32x10112xf32, #tpu.memory_space<hbm>> -> memref<1x10112xf32, #tpu.memory_space<hbm>>
      %dma_wait3A_47 = tpu.memref_squeeze %dma_wait3A_46 : memref<1x10112xf32, #tpu.memory_space<hbm>> -> memref<10112xf32, #tpu.memory_space<hbm>>
      tpu.wait_dma2 semaphore(%run_scoped3A : memref<!tpu.dma_semaphore, #tpu.memory_space<semaphore_mem>>) src(%dma_wait3A_47 : memref<10112xf32, #tpu.memory_space<hbm>>) dst(%arg10 : memref<10112xf32, #tpu.memory_space<vmem>>)
      tpu.yield
    }) : () -> ()
    %scan3A_27 = arith.constant 0 : i32
    %scan3A_28 = arith.constant 0 : i32
    %scan3A_29 = arith.constant 79 : i32
    %scan3A_30 = arith.addi %scan3A_28, %scan3A_29 : i32
    %scan3A_31 = arith.constant 1 : i32
    scf.for %scan3A_38 = %scan3A_28 to %scan3A_30 step %scan3A_31  : i32 {
      %dma_start3A = arith.constant 0 : i32
      %dma_start3A_39 = tpu.memref_slice %arg8[%scan3A_38, %dma_start3A] : memref<79x128xi32, #tpu.memory_space<vmem>> -> memref<1x128xi32, #tpu.memory_space<vmem>>
      %dma_start3A_40 = tpu.memref_squeeze %dma_start3A_39 : memref<1x128xi32, #tpu.memory_space<vmem>> -> memref<128xi32, #tpu.memory_space<vmem>>
      %dma_start3A_41 = arith.constant 0 : i32
      %dma_start3A_42 = arith.constant 0 : i32
      %dma_start3A_43 = tpu.memref_slice %arg2[%dma_start3A_41, %dma_start3A_42] : memref<10112x128xf32, #tpu.memory_space<hbm>> -> memref<10112x128xf32, #tpu.memory_space<hbm>>
      tpu.enqueue_indirect_dma source(%dma_start3A_43 : memref<10112x128xf32, #tpu.memory_space<hbm>>) target(%arg11 : memref<128x128xf32, #tpu.memory_space<vmem>>) offsets(%dma_start3A_40 : memref<128xi32, #tpu.memory_space<vmem>>) semaphore(%arg12 : memref<!tpu.dma_semaphore, #tpu.memory_space<semaphore_mem>>)
      %dma_wait3A = arith.constant 0 : i32
      %dma_wait3A_44 = tpu.memref_slice %arg8[%scan3A_38, %dma_wait3A] : memref<79x128xi32, #tpu.memory_space<vmem>> -> memref<1x128xi32, #tpu.memory_space<vmem>>
      %dma_wait3A_45 = tpu.memref_squeeze %dma_wait3A_44 : memref<1x128xi32, #tpu.memory_space<vmem>> -> memref<128xi32, #tpu.memory_space<vmem>>
      %dma_wait3A_46 = arith.constant 0 : i32
      %dma_wait3A_47 = arith.constant 0 : i32
      %dma_wait3A_48 = tpu.memref_slice %arg2[%dma_wait3A_46, %dma_wait3A_47] : memref<10112x128xf32, #tpu.memory_space<hbm>> -> memref<10112x128xf32, #tpu.memory_space<hbm>>
      tpu.wait_indirect_dma semaphore(%arg12 : memref<!tpu.dma_semaphore, #tpu.memory_space<semaphore_mem>>) src(%dma_wait3A_48 : memref<10112x128xf32, #tpu.memory_space<hbm>>) dst(%arg11 : memref<128x128xf32, #tpu.memory_space<vmem>>)
      %mul3A_49 = arith.constant 128 : i32
      %mul3A_50 = arith.muli %scan3A_38, %mul3A_49 : i32
      %broadcast_in_dim3A_51 = vector.broadcast %mul3A_50 : i32 to vector<16xi32>
      %scan3A_52 = arith.constant 0 : i32
      %scan3A_53 = arith.constant 128 : i32
      %scan3A_54 = arith.addi %scan3A_52, %scan3A_53 : i32
      %scan3A_55 = arith.constant 2 : i32
      %scan3A_56 = scf.for %scan3A_70 = %scan3A_52 to %scan3A_54 step %scan3A_55 iter_args(%scan3A_71 = %broadcast_in_dim3A_51) -> (vector<16xi32>)  : i32 {
        %gather3A = tpu.vector_load_idx %arg10[%scan3A_71] : memref<10112xf32, #tpu.memory_space<vmem>>[vector<16xi32>], vector<16xf32>,
        %get3A = arith.index_cast %scan3A_70 : i32 to index
        %get3A_72 = arith.constant 0 : index
        %get3A_73 = tpu.vector_load %arg11[%get3A, %get3A_72] {strides = array<i32>} : memref<128x128xf32, #tpu.memory_space<vmem>>, vector<16xf32>,
        %mul3A_74 = arith.mulf %get3A_73, %gather3A : vector<16xf32>
        %swap3A = arith.index_cast %scan3A_70 : i32 to index
        %swap3A_75 = arith.constant 0 : index
        %swap3A_76 = tpu.vector_load %arg11[%swap3A, %swap3A_75] {strides = array<i32>} : memref<128x128xf32, #tpu.memory_space<vmem>>, vector<16xf32>,
        tpu.vector_store %arg11[%swap3A, %swap3A_75], %mul3A_74 {strides = array<i32>} : memref<128x128xf32, #tpu.memory_space<vmem>>, vector<16xf32>,
        %get3A_77 = arith.index_cast %scan3A_70 : i32 to index
        %get3A_78 = arith.constant 16 : index
        %get3A_79 = tpu.vector_load %arg11[%get3A_77, %get3A_78] {strides = array<i32>} : memref<128x128xf32, #tpu.memory_space<vmem>>, vector<16xf32>,
        %mul3A_80 = arith.mulf %get3A_79, %gather3A : vector<16xf32>
        %swap3A_81 = arith.index_cast %scan3A_70 : i32 to index
        %swap3A_82 = arith.constant 16 : index
        %swap3A_83 = tpu.vector_load %arg11[%swap3A_81, %swap3A_82] {strides = array<i32>} : memref<128x128xf32, #tpu.memory_space<vmem>>, vector<16xf32>,
        tpu.vector_store %arg11[%swap3A_81, %swap3A_82], %mul3A_80 {strides = array<i32>} : memref<128x128xf32, #tpu.memory_space<vmem>>, vector<16xf32>,
        %get3A_84 = arith.index_cast %scan3A_70 : i32 to index
        %get3A_85 = arith.constant 32 : index
        %get3A_86 = tpu.vector_load %arg11[%get3A_84, %get3A_85] {strides = array<i32>} : memref<128x128xf32, #tpu.memory_space<vmem>>, vector<16xf32>,
        %mul3A_87 = arith.mulf %get3A_86, %gather3A : vector<16xf32>
        %swap3A_88 = arith.index_cast %scan3A_70 : i32 to index
        %swap3A_89 = arith.constant 32 : index
        %swap3A_90 = tpu.vector_load %arg11[%swap3A_88, %swap3A_89] {strides = array<i32>} : memref<128x128xf32, #tpu.memory_space<vmem>>, vector<16xf32>,
        tpu.vector_store %arg11[%swap3A_88, %swap3A_89], %mul3A_87 {strides = array<i32>} : memref<128x128xf32, #tpu.memory_space<vmem>>, vector<16xf32>,
        %get3A_91 = arith.index_cast %scan3A_70 : i32 to index
        %get3A_92 = arith.constant 48 : index
        %get3A_93 = tpu.vector_load %arg11[%get3A_91, %get3A_92] {strides = array<i32>} : memref<128x128xf32, #tpu.memory_space<vmem>>, vector<16xf32>,
        %mul3A_94 = arith.mulf %get3A_93, %gather3A : vector<16xf32>
        %swap3A_95 = arith.index_cast %scan3A_70 : i32 to index
        %swap3A_96 = arith.constant 48 : index
        %swap3A_97 = tpu.vector_load %arg11[%swap3A_95, %swap3A_96] {strides = array<i32>} : memref<128x128xf32, #tpu.memory_space<vmem>>, vector<16xf32>,
        tpu.vector_store %arg11[%swap3A_95, %swap3A_96], %mul3A_94 {strides = array<i32>} : memref<128x128xf32, #tpu.memory_space<vmem>>, vector<16xf32>,
        %get3A_98 = arith.index_cast %scan3A_70 : i32 to index
        %get3A_99 = arith.constant 64 : index
        %get3A_100 = tpu.vector_load %arg11[%get3A_98, %get3A_99] {strides = array<i32>} : memref<128x128xf32, #tpu.memory_space<vmem>>, vector<16xf32>,
        %mul3A_101 = arith.mulf %get3A_100, %gather3A : vector<16xf32>
        %swap3A_102 = arith.index_cast %scan3A_70 : i32 to index
        %swap3A_103 = arith.constant 64 : index
        %swap3A_104 = tpu.vector_load %arg11[%swap3A_102, %swap3A_103] {strides = array<i32>} : memref<128x128xf32, #tpu.memory_space<vmem>>, vector<16xf32>,
        tpu.vector_store %arg11[%swap3A_102, %swap3A_103], %mul3A_101 {strides = array<i32>} : memref<128x128xf32, #tpu.memory_space<vmem>>, vector<16xf32>,
        %get3A_105 = arith.index_cast %scan3A_70 : i32 to index
        %get3A_106 = arith.constant 80 : index
        %get3A_107 = tpu.vector_load %arg11[%get3A_105, %get3A_106] {strides = array<i32>} : memref<128x128xf32, #tpu.memory_space<vmem>>, vector<16xf32>,
        %mul3A_108 = arith.mulf %get3A_107, %gather3A : vector<16xf32>
        %swap3A_109 = arith.index_cast %scan3A_70 : i32 to index
        %swap3A_110 = arith.constant 80 : index
        %swap3A_111 = tpu.vector_load %arg11[%swap3A_109, %swap3A_110] {strides = array<i32>} : memref<128x128xf32, #tpu.memory_space<vmem>>, vector<16xf32>,
        tpu.vector_store %arg11[%swap3A_109, %swap3A_110], %mul3A_108 {strides = array<i32>} : memref<128x128xf32, #tpu.memory_space<vmem>>, vector<16xf32>,
        %get3A_112 = arith.index_cast %scan3A_70 : i32 to index
        %get3A_113 = arith.constant 96 : index
        %get3A_114 = tpu.vector_load %arg11[%get3A_112, %get3A_113] {strides = array<i32>} : memref<128x128xf32, #tpu.memory_space<vmem>>, vector<16xf32>,
        %mul3A_115 = arith.mulf %get3A_114, %gather3A : vector<16xf32>
        %swap3A_116 = arith.index_cast %scan3A_70 : i32 to index
        %swap3A_117 = arith.constant 96 : index
        %swap3A_118 = tpu.vector_load %arg11[%swap3A_116, %swap3A_117] {strides = array<i32>} : memref<128x128xf32, #tpu.memory_space<vmem>>, vector<16xf32>,
        tpu.vector_store %arg11[%swap3A_116, %swap3A_117], %mul3A_115 {strides = array<i32>} : memref<128x128xf32, #tpu.memory_space<vmem>>, vector<16xf32>,
        %get3A_119 = arith.index_cast %scan3A_70 : i32 to index
        %get3A_120 = arith.constant 112 : index
        %get3A_121 = tpu.vector_load %arg11[%get3A_119, %get3A_120] {strides = array<i32>} : memref<128x128xf32, #tpu.memory_space<vmem>>, vector<16xf32>,
        %mul3A_122 = arith.mulf %get3A_121, %gather3A : vector<16xf32>
        %swap3A_123 = arith.index_cast %scan3A_70 : i32 to index
        %swap3A_124 = arith.constant 112 : index
        %swap3A_125 = tpu.vector_load %arg11[%swap3A_123, %swap3A_124] {strides = array<i32>} : memref<128x128xf32, #tpu.memory_space<vmem>>, vector<16xf32>,
        tpu.vector_store %arg11[%swap3A_123, %swap3A_124], %mul3A_122 {strides = array<i32>} : memref<128x128xf32, #tpu.memory_space<vmem>>, vector<16xf32>,
        %add3A_126 = arith.constant 1 : i32
        %add3A_127 = vector.broadcast %add3A_126 : i32 to vector<16xi32>
        %add3A_128 = arith.addi %scan3A_71, %add3A_127 : vector<16xi32>
        %scan3A_129 = arith.constant 1 : i32
        %scan3A_130 = arith.addi %scan3A_70, %scan3A_129 : i32
        %gather3A_131 = tpu.vector_load_idx %arg10[%add3A_128] : memref<10112xf32, #tpu.memory_space<vmem>>[vector<16xi32>], vector<16xf32>,
        %get3A_132 = arith.index_cast %scan3A_130 : i32 to index
        %get3A_133 = arith.constant 0 : index
        %get3A_134 = tpu.vector_load %arg11[%get3A_132, %get3A_133] {strides = array<i32>} : memref<128x128xf32, #tpu.memory_space<vmem>>, vector<16xf32>,
        %mul3A_135 = arith.mulf %get3A_134, %gather3A_131 : vector<16xf32>
        %swap3A_136 = arith.index_cast %scan3A_130 : i32 to index
        %swap3A_137 = arith.constant 0 : index
        %swap3A_138 = tpu.vector_load %arg11[%swap3A_136, %swap3A_137] {strides = array<i32>} : memref<128x128xf32, #tpu.memory_space<vmem>>, vector<16xf32>,
        tpu.vector_store %arg11[%swap3A_136, %swap3A_137], %mul3A_135 {strides = array<i32>} : memref<128x128xf32, #tpu.memory_space<vmem>>, vector<16xf32>,
        %get3A_139 = arith.index_cast %scan3A_130 : i32 to index
        %get3A_140 = arith.constant 16 : index
        %get3A_141 = tpu.vector_load %arg11[%get3A_139, %get3A_140] {strides = array<i32>} : memref<128x128xf32, #tpu.memory_space<vmem>>, vector<16xf32>,
        %mul3A_142 = arith.mulf %get3A_141, %gather3A_131 : vector<16xf32>
        %swap3A_143 = arith.index_cast %scan3A_130 : i32 to index
        %swap3A_144 = arith.constant 16 : index
        %swap3A_145 = tpu.vector_load %arg11[%swap3A_143, %swap3A_144] {strides = array<i32>} : memref<128x128xf32, #tpu.memory_space<vmem>>, vector<16xf32>,
        tpu.vector_store %arg11[%swap3A_143, %swap3A_144], %mul3A_142 {strides = array<i32>} : memref<128x128xf32, #tpu.memory_space<vmem>>, vector<16xf32>,
        %get3A_146 = arith.index_cast %scan3A_130 : i32 to index
        %get3A_147 = arith.constant 32 : index
        %get3A_148 = tpu.vector_load %arg11[%get3A_146, %get3A_147] {strides = array<i32>} : memref<128x128xf32, #tpu.memory_space<vmem>>, vector<16xf32>,
        %mul3A_149 = arith.mulf %get3A_148, %gather3A_131 : vector<16xf32>
        %swap3A_150 = arith.index_cast %scan3A_130 : i32 to index
        %swap3A_151 = arith.constant 32 : index
        %swap3A_152 = tpu.vector_load %arg11[%swap3A_150, %swap3A_151] {strides = array<i32>} : memref<128x128xf32, #tpu.memory_space<vmem>>, vector<16xf32>,
        tpu.vector_store %arg11[%swap3A_150, %swap3A_151], %mul3A_149 {strides = array<i32>} : memref<128x128xf32, #tpu.memory_space<vmem>>, vector<16xf32>,
        %get3A_153 = arith.index_cast %scan3A_130 : i32 to index
        %get3A_154 = arith.constant 48 : index
        %get3A_155 = tpu.vector_load %arg11[%get3A_153, %get3A_154] {strides = array<i32>} : memref<128x128xf32, #tpu.memory_space<vmem>>, vector<16xf32>,
        %mul3A_156 = arith.mulf %get3A_155, %gather3A_131 : vector<16xf32>
        %swap3A_157 = arith.index_cast %scan3A_130 : i32 to index
        %swap3A_158 = arith.constant 48 : index
        %swap3A_159 = tpu.vector_load %arg11[%swap3A_157, %swap3A_158] {strides = array<i32>} : memref<128x128xf32, #tpu.memory_space<vmem>>, vector<16xf32>,
        tpu.vector_store %arg11[%swap3A_157, %swap3A_158], %mul3A_156 {strides = array<i32>} : memref<128x128xf32, #tpu.memory_space<vmem>>, vector<16xf32>,
        %get3A_160 = arith.index_cast %scan3A_130 : i32 to index
        %get3A_161 = arith.constant 64 : index
        %get3A_162 = tpu.vector_load %arg11[%get3A_160, %get3A_161] {strides = array<i32>} : memref<128x128xf32, #tpu.memory_space<vmem>>, vector<16xf32>,
        %mul3A_163 = arith.mulf %get3A_162, %gather3A_131 : vector<16xf32>
        %swap3A_164 = arith.index_cast %scan3A_130 : i32 to index
        %swap3A_165 = arith.constant 64 : index
        %swap3A_166 = tpu.vector_load %arg11[%swap3A_164, %swap3A_165] {strides = array<i32>} : memref<128x128xf32, #tpu.memory_space<vmem>>, vector<16xf32>,
        tpu.vector_store %arg11[%swap3A_164, %swap3A_165], %mul3A_163 {strides = array<i32>} : memref<128x128xf32, #tpu.memory_space<vmem>>, vector<16xf32>,
        %get3A_167 = arith.index_cast %scan3A_130 : i32 to index
        %get3A_168 = arith.constant 80 : index
        %get3A_169 = tpu.vector_load %arg11[%get3A_167, %get3A_168] {strides = array<i32>} : memref<128x128xf32, #tpu.memory_space<vmem>>, vector<16xf32>,
        %mul3A_170 = arith.mulf %get3A_169, %gather3A_131 : vector<16xf32>
        %swap3A_171 = arith.index_cast %scan3A_130 : i32 to index
        %swap3A_172 = arith.constant 80 : index
        %swap3A_173 = tpu.vector_load %arg11[%swap3A_171, %swap3A_172] {strides = array<i32>} : memref<128x128xf32, #tpu.memory_space<vmem>>, vector<16xf32>,
        tpu.vector_store %arg11[%swap3A_171, %swap3A_172], %mul3A_170 {strides = array<i32>} : memref<128x128xf32, #tpu.memory_space<vmem>>, vector<16xf32>,
        %get3A_174 = arith.index_cast %scan3A_130 : i32 to index
        %get3A_175 = arith.constant 96 : index
        %get3A_176 = tpu.vector_load %arg11[%get3A_174, %get3A_175] {strides = array<i32>} : memref<128x128xf32, #tpu.memory_space<vmem>>, vector<16xf32>,
        %mul3A_177 = arith.mulf %get3A_176, %gather3A_131 : vector<16xf32>
        %swap3A_178 = arith.index_cast %scan3A_130 : i32 to index
        %swap3A_179 = arith.constant 96 : index
        %swap3A_180 = tpu.vector_load %arg11[%swap3A_178, %swap3A_179] {strides = array<i32>} : memref<128x128xf32, #tpu.memory_space<vmem>>, vector<16xf32>,
        tpu.vector_store %arg11[%swap3A_178, %swap3A_179], %mul3A_177 {strides = array<i32>} : memref<128x128xf32, #tpu.memory_space<vmem>>, vector<16xf32>,
        %get3A_181 = arith.index_cast %scan3A_130 : i32 to index
        %get3A_182 = arith.constant 112 : index
        %get3A_183 = tpu.vector_load %arg11[%get3A_181, %get3A_182] {strides = array<i32>} : memref<128x128xf32, #tpu.memory_space<vmem>>, vector<16xf32>,
        %mul3A_184 = arith.mulf %get3A_183, %gather3A_131 : vector<16xf32>
        %swap3A_185 = arith.index_cast %scan3A_130 : i32 to index
        %swap3A_186 = arith.constant 112 : index
        %swap3A_187 = tpu.vector_load %arg11[%swap3A_185, %swap3A_186] {strides = array<i32>} : memref<128x128xf32, #tpu.memory_space<vmem>>, vector<16xf32>,
        tpu.vector_store %arg11[%swap3A_185, %swap3A_186], %mul3A_184 {strides = array<i32>} : memref<128x128xf32, #tpu.memory_space<vmem>>, vector<16xf32>,
        %add3A_188 = arith.constant 1 : i32
        %add3A_189 = vector.broadcast %add3A_188 : i32 to vector<16xi32>
        %add3A_190 = arith.addi %add3A_128, %add3A_189 : vector<16xi32>
        scf.yield %add3A_190 : vector<16xi32>
      }
      %scan3A_57 = arith.constant 128 : i32
      %dma_start3A_58 = arith.constant 0 : i32
      %dma_start3A_59 = tpu.memref_slice %arg9[%scan3A_38, %dma_start3A_58] : memref<79x128xi32, #tpu.memory_space<vmem>> -> memref<1x128xi32, #tpu.memory_space<vmem>>
      %dma_start3A_60 = tpu.memref_squeeze %dma_start3A_59 : memref<1x128xi32, #tpu.memory_space<vmem>> -> memref<128xi32, #tpu.memory_space<vmem>>
      %dma_start3A_61 = arith.constant 0 : i32
      %dma_start3A_62 = arith.constant 0 : i32
      %dma_start3A_63 = tpu.memref_slice %arg7[%dma_start3A_61, %dma_start3A_62] : memref<10112x128xf32, #tpu.memory_space<vmem_shared>> -> memref<10112x128xf32, #tpu.memory_space<vmem_shared>>
      tpu.enqueue_indirect_dma source(%arg11 : memref<128x128xf32, #tpu.memory_space<vmem>>) target(%dma_start3A_63 : memref<10112x128xf32, #tpu.memory_space<vmem_shared>>) offsets(%dma_start3A_60 : memref<128xi32, #tpu.memory_space<vmem>>) semaphore(%arg13 : memref<!tpu.dma_semaphore, #tpu.memory_space<semaphore_mem>>) {add = true}
      %dma_wait3A_64 = arith.constant 0 : i32
      %dma_wait3A_65 = tpu.memref_slice %arg9[%scan3A_38, %dma_wait3A_64] : memref<79x128xi32, #tpu.memory_space<vmem>> -> memref<1x128xi32, #tpu.memory_space<vmem>>
      %dma_wait3A_66 = tpu.memref_squeeze %dma_wait3A_65 : memref<1x128xi32, #tpu.memory_space<vmem>> -> memref<128xi32, #tpu.memory_space<vmem>>
      %dma_wait3A_67 = arith.constant 0 : i32
      %dma_wait3A_68 = arith.constant 0 : i32
      %dma_wait3A_69 = tpu.memref_slice %arg7[%dma_wait3A_67, %dma_wait3A_68] : memref<10112x128xf32, #tpu.memory_space<vmem_shared>> -> memref<10112x128xf32, #tpu.memory_space<vmem_shared>>
      tpu.wait_indirect_dma semaphore(%arg13 : memref<!tpu.dma_semaphore, #tpu.memory_space<semaphore_mem>>) src(%arg11 : memref<128x128xf32, #tpu.memory_space<vmem>>) dst(%dma_wait3A_69 : memref<10112x128xf32, #tpu.memory_space<vmem_shared>>)
    }
    %scan3A_32 = arith.constant 79 : i32
    %barrier3A_33 = arith.constant 0 : index
    tpu.barrier barrier_id(%barrier3A_33)
    %mul3A_34 = arith.constant 632 : i32
    %mul3A_35 = arith.muli %arg1, %mul3A_34 : i32
    %mul3A_36 = arith.constant 632 : i32
    %mul3A_37 = arith.muli %arg1, %mul3A_36 : i32
    "tpu.region"() ({
      %run_scoped3A = tpu.sem_alloc : memref<!tpu.dma_semaphore, #tpu.memory_space<semaphore_mem>>
      %dma_start3A = arith.constant 0 : i32
      %dma_start3A_38 = tpu.memref_slice %arg6[%arg0, %mul3A_37, %dma_start3A] : memref<2x10112x128xf32, #tpu.memory_space<hbm>> -> memref<1x632x128xf32, #tpu.memory_space<hbm>>
      %dma_start3A_39 = tpu.memref_squeeze %dma_start3A_38 : memref<1x632x128xf32, #tpu.memory_space<hbm>> -> memref<632x128xf32, #tpu.memory_space<hbm>>
      %dma_start3A_40 = arith.constant 0 : i32
      %dma_start3A_41 = tpu.memref_slice %arg7[%mul3A_35, %dma_start3A_40] : memref<10112x128xf32, #tpu.memory_space<vmem_shared>> -> memref<632x128xf32, #tpu.memory_space<vmem_shared>>
      tpu.enqueue_dma source(%dma_start3A_41 : memref<632x128xf32, #tpu.memory_space<vmem_shared>>) target(%dma_start3A_39 : memref<632x128xf32, #tpu.memory_space<hbm>>) target_semaphore(%run_scoped3A : memref<!tpu.dma_semaphore, #tpu.memory_space<semaphore_mem>>)
      %dma_wait3A = arith.constant 0 : i32
      %dma_wait3A_42 = tpu.memref_slice %arg6[%arg0, %mul3A_37, %dma_wait3A] : memref<2x10112x128xf32, #tpu.memory_space<hbm>> -> memref<1x632x128xf32, #tpu.memory_space<hbm>>
      %dma_wait3A_43 = tpu.memref_squeeze %dma_wait3A_42 : memref<1x632x128xf32, #tpu.memory_space<hbm>> -> memref<632x128xf32, #tpu.memory_space<hbm>>
      %dma_wait3A_44 = arith.constant 0 : i32
      %dma_wait3A_45 = tpu.memref_slice %arg7[%mul3A_35, %dma_wait3A_44] : memref<10112x128xf32, #tpu.memory_space<vmem_shared>> -> memref<632x128xf32, #tpu.memory_space<vmem_shared>>
      tpu.wait_dma2 semaphore(%run_scoped3A : memref<!tpu.dma_semaphore, #tpu.memory_space<semaphore_mem>>) src(%dma_wait3A_45 : memref<632x128xf32, #tpu.memory_space<vmem_shared>>) dst(%dma_wait3A_43 : memref<632x128xf32, #tpu.memory_space<hbm>>)
      tpu.yield
    }) : () -> ()
    return
  }
}

#map = affine_map<(d0, d1) -> (0, 0)>
module attributes {stable_mosaic.version = 14 : i64} {
  func.func @_patient_body(%arg0: i32, %arg1: i32, %arg2: memref<10113x128xf32, #tpu.memory_space<hbm>>, %arg3: memref<1024x64xi32, #tpu.memory_space<hbm>>, %arg4: memref<1024x128xf32, #tpu.memory_space<hbm>>, %arg5: memref<32x64xi32, #tpu.memory_space<vmem>>, %arg6: memref<64x128xf32, #tpu.memory_space<vmem>>, %arg7: memref<32x128xf32, #tpu.memory_space<vmem>>, %arg8: memref<!tpu.dma_semaphore, #tpu.memory_space<semaphore_mem>>) attributes {dimension_semantics = [#tpu.dimension_semantics<core_parallel>, #tpu.dimension_semantics<subcore_parallel>], iteration_bounds = array<i64: 2, 16>, scalar_prefetch = 0 : i64, scratch_operands = 4 : i64, tpu.core_type = #tpu.core_type<sc_vector_subcore>, window_params = [{transform_indices = #map}, {transform_indices = #map}, {transform_indices = #map}]} {
    %mul3A = arith.constant 2 : i32
    %mul3A_0 = arith.muli %arg1, %mul3A : i32
    %add3A = arith.addi %mul3A_0, %arg0 : i32
    %mul3A_1 = arith.constant 32 : i32
    %mul3A_2 = arith.muli %add3A, %mul3A_1 : i32
    "tpu.region"() ({
      %run_scoped3A = tpu.sem_alloc : memref<!tpu.dma_semaphore, #tpu.memory_space<semaphore_mem>>
      %dma_start3A = arith.constant 0 : i32
      %dma_start3A_8 = tpu.memref_slice %arg3[%mul3A_2, %dma_start3A] : memref<1024x64xi32, #tpu.memory_space<hbm>> -> memref<32x64xi32, #tpu.memory_space<hbm>>
      %dma_start3A_9 = arith.constant 0 : i32
      %dma_start3A_10 = tpu.memref_slice %arg3[%mul3A_2, %dma_start3A_9] : memref<1024x64xi32, #tpu.memory_space<hbm>> -> memref<32x64xi32, #tpu.memory_space<hbm>>
      tpu.enqueue_dma source(%dma_start3A_10 : memref<32x64xi32, #tpu.memory_space<hbm>>) target(%arg5 : memref<32x64xi32, #tpu.memory_space<vmem>>) target_semaphore(%run_scoped3A : memref<!tpu.dma_semaphore, #tpu.memory_space<semaphore_mem>>)
      %dma_wait3A = arith.constant 0 : i32
      %dma_wait3A_11 = tpu.memref_slice %arg3[%mul3A_2, %dma_wait3A] : memref<1024x64xi32, #tpu.memory_space<hbm>> -> memref<32x64xi32, #tpu.memory_space<hbm>>
      %dma_wait3A_12 = arith.constant 0 : i32
      %dma_wait3A_13 = tpu.memref_slice %arg3[%mul3A_2, %dma_wait3A_12] : memref<1024x64xi32, #tpu.memory_space<hbm>> -> memref<32x64xi32, #tpu.memory_space<hbm>>
      tpu.wait_dma2 semaphore(%run_scoped3A : memref<!tpu.dma_semaphore, #tpu.memory_space<semaphore_mem>>) src(%dma_wait3A_13 : memref<32x64xi32, #tpu.memory_space<hbm>>) dst(%arg5 : memref<32x64xi32, #tpu.memory_space<vmem>>)
      tpu.yield
    }) : () -> ()
    %scan3A = arith.constant 0 : i32
    %scan3A_3 = arith.constant 0 : i32
    %scan3A_4 = arith.constant 32 : i32
    %scan3A_5 = arith.addi %scan3A_3, %scan3A_4 : i32
    %scan3A_6 = arith.constant 1 : i32
    scf.for %scan3A_8 = %scan3A_3 to %scan3A_5 step %scan3A_6  : i32 {
      %dma_start3A = arith.constant 0 : i32
      %dma_start3A_9 = tpu.memref_slice %arg5[%scan3A_8, %dma_start3A] : memref<32x64xi32, #tpu.memory_space<vmem>> -> memref<1x64xi32, #tpu.memory_space<vmem>>
      %dma_start3A_10 = tpu.memref_squeeze %dma_start3A_9 : memref<1x64xi32, #tpu.memory_space<vmem>> -> memref<64xi32, #tpu.memory_space<vmem>>
      %dma_start3A_11 = arith.constant 0 : i32
      %dma_start3A_12 = arith.constant 0 : i32
      %dma_start3A_13 = tpu.memref_slice %arg2[%dma_start3A_11, %dma_start3A_12] : memref<10113x128xf32, #tpu.memory_space<hbm>> -> memref<10113x128xf32, #tpu.memory_space<hbm>>
      tpu.enqueue_indirect_dma source(%dma_start3A_13 : memref<10113x128xf32, #tpu.memory_space<hbm>>) target(%arg6 : memref<64x128xf32, #tpu.memory_space<vmem>>) offsets(%dma_start3A_10 : memref<64xi32, #tpu.memory_space<vmem>>) semaphore(%arg8 : memref<!tpu.dma_semaphore, #tpu.memory_space<semaphore_mem>>)
      %dma_wait3A = arith.constant 0 : i32
      %dma_wait3A_14 = tpu.memref_slice %arg5[%scan3A_8, %dma_wait3A] : memref<32x64xi32, #tpu.memory_space<vmem>> -> memref<1x64xi32, #tpu.memory_space<vmem>>
      %dma_wait3A_15 = tpu.memref_squeeze %dma_wait3A_14 : memref<1x64xi32, #tpu.memory_space<vmem>> -> memref<64xi32, #tpu.memory_space<vmem>>
      %dma_wait3A_16 = arith.constant 0 : i32
      %dma_wait3A_17 = arith.constant 0 : i32
      %dma_wait3A_18 = tpu.memref_slice %arg2[%dma_wait3A_16, %dma_wait3A_17] : memref<10113x128xf32, #tpu.memory_space<hbm>> -> memref<10113x128xf32, #tpu.memory_space<hbm>>
      tpu.wait_indirect_dma semaphore(%arg8 : memref<!tpu.dma_semaphore, #tpu.memory_space<semaphore_mem>>) src(%dma_wait3A_18 : memref<10113x128xf32, #tpu.memory_space<hbm>>) dst(%arg6 : memref<64x128xf32, #tpu.memory_space<vmem>>)
      %broadcast_in_dim3A = arith.constant 0 : i32
      %broadcast_in_dim3A_19 = vector.broadcast %broadcast_in_dim3A : i32 to vector<16xi32>
      %get3A = arith.index_cast %scan3A_8 : i32 to index
      %get3A_20 = arith.constant 0 : index
      %get3A_21 = tpu.vector_load %arg5[%get3A, %get3A_20] {strides = array<i32>} : memref<32x64xi32, #tpu.memory_space<vmem>>, vector<16xi32>,
      %ne3A = arith.constant 0 : i32
      %ne3A_22 = vector.broadcast %ne3A : i32 to vector<16xi32>
      %ne3A_23 = arith.cmpi ne, %get3A_21, %ne3A_22 : vector<16xi32>
      %all_reduce_population_count3A = tpu.all_reduce %ne3A_23 {dim = 0 : i64, kind = #tpu.reduction_kind<sum>} : vector<16xi1> -> vector<16xi32>
      %add3A_24 = arith.addi %broadcast_in_dim3A_19, %all_reduce_population_count3A : vector<16xi32>
      %get3A_25 = arith.index_cast %scan3A_8 : i32 to index
      %get3A_26 = arith.constant 16 : index
      %get3A_27 = tpu.vector_load %arg5[%get3A_25, %get3A_26] {strides = array<i32>} : memref<32x64xi32, #tpu.memory_space<vmem>>, vector<16xi32>,
      %ne3A_28 = arith.constant 0 : i32
      %ne3A_29 = vector.broadcast %ne3A_28 : i32 to vector<16xi32>
      %ne3A_30 = arith.cmpi ne, %get3A_27, %ne3A_29 : vector<16xi32>
      %all_reduce_population_count3A_31 = tpu.all_reduce %ne3A_30 {dim = 0 : i64, kind = #tpu.reduction_kind<sum>} : vector<16xi1> -> vector<16xi32>
      %add3A_32 = arith.addi %add3A_24, %all_reduce_population_count3A_31 : vector<16xi32>
      %get3A_33 = arith.index_cast %scan3A_8 : i32 to index
      %get3A_34 = arith.constant 32 : index
      %get3A_35 = tpu.vector_load %arg5[%get3A_33, %get3A_34] {strides = array<i32>} : memref<32x64xi32, #tpu.memory_space<vmem>>, vector<16xi32>,
      %ne3A_36 = arith.constant 0 : i32
      %ne3A_37 = vector.broadcast %ne3A_36 : i32 to vector<16xi32>
      %ne3A_38 = arith.cmpi ne, %get3A_35, %ne3A_37 : vector<16xi32>
      %all_reduce_population_count3A_39 = tpu.all_reduce %ne3A_38 {dim = 0 : i64, kind = #tpu.reduction_kind<sum>} : vector<16xi1> -> vector<16xi32>
      %add3A_40 = arith.addi %add3A_32, %all_reduce_population_count3A_39 : vector<16xi32>
      %get3A_41 = arith.index_cast %scan3A_8 : i32 to index
      %get3A_42 = arith.constant 48 : index
      %get3A_43 = tpu.vector_load %arg5[%get3A_41, %get3A_42] {strides = array<i32>} : memref<32x64xi32, #tpu.memory_space<vmem>>, vector<16xi32>,
      %ne3A_44 = arith.constant 0 : i32
      %ne3A_45 = vector.broadcast %ne3A_44 : i32 to vector<16xi32>
      %ne3A_46 = arith.cmpi ne, %get3A_43, %ne3A_45 : vector<16xi32>
      %all_reduce_population_count3A_47 = tpu.all_reduce %ne3A_46 {dim = 0 : i64, kind = #tpu.reduction_kind<sum>} : vector<16xi1> -> vector<16xi32>
      %add3A_48 = arith.addi %add3A_40, %all_reduce_population_count3A_47 : vector<16xi32>
      %convert_element_type3A = arith.sitofp %add3A_48 : vector<16xi32> to vector<16xf32>
      %max3A = arith.constant 1.000000e+00 : f32
      %max3A_49 = vector.broadcast %max3A : f32 to vector<16xf32>
      %max3A_50 = arith.maximumf %convert_element_type3A, %max3A_49 : vector<16xf32>
      %div3A = arith.constant 1.000000e+00 : f32
      %div3A_51 = vector.broadcast %div3A : f32 to vector<16xf32>
      %div3A_52 = arith.divf %div3A_51, %max3A_50 : vector<16xf32>
      %broadcast_in_dim3A_53 = arith.constant 0.000000e+00 : f32
      %broadcast_in_dim3A_54 = vector.broadcast %broadcast_in_dim3A_53 : f32 to vector<16xf32>
      %scan3A_55 = arith.constant 0 : i32
      %scan3A_56 = arith.constant 64 : i32
      %scan3A_57 = arith.addi %scan3A_55, %scan3A_56 : i32
      %scan3A_58 = arith.constant 4 : i32
      %scan3A_59 = scf.for %scan3A_148 = %scan3A_55 to %scan3A_57 step %scan3A_58 iter_args(%scan3A_149 = %broadcast_in_dim3A_54) -> (vector<16xf32>)  : i32 {
        %get3A_150 = arith.index_cast %scan3A_148 : i32 to index
        %get3A_151 = arith.constant 0 : index
        %get3A_152 = tpu.vector_load %arg6[%get3A_150, %get3A_151] {strides = array<i32>} : memref<64x128xf32, #tpu.memory_space<vmem>>, vector<16xf32>,
        %add3A_153 = arith.addf %scan3A_149, %get3A_152 : vector<16xf32>
        %scan3A_154 = arith.constant 1 : i32
        %scan3A_155 = arith.addi %scan3A_148, %scan3A_154 : i32
        %get3A_156 = arith.index_cast %scan3A_155 : i32 to index
        %get3A_157 = arith.constant 0 : index
        %get3A_158 = tpu.vector_load %arg6[%get3A_156, %get3A_157] {strides = array<i32>} : memref<64x128xf32, #tpu.memory_space<vmem>>, vector<16xf32>,
        %add3A_159 = arith.addf %add3A_153, %get3A_158 : vector<16xf32>
        %scan3A_160 = arith.constant 2 : i32
        %scan3A_161 = arith.addi %scan3A_148, %scan3A_160 : i32
        %get3A_162 = arith.index_cast %scan3A_161 : i32 to index
        %get3A_163 = arith.constant 0 : index
        %get3A_164 = tpu.vector_load %arg6[%get3A_162, %get3A_163] {strides = array<i32>} : memref<64x128xf32, #tpu.memory_space<vmem>>, vector<16xf32>,
        %add3A_165 = arith.addf %add3A_159, %get3A_164 : vector<16xf32>
        %scan3A_166 = arith.constant 3 : i32
        %scan3A_167 = arith.addi %scan3A_148, %scan3A_166 : i32
        %get3A_168 = arith.index_cast %scan3A_167 : i32 to index
        %get3A_169 = arith.constant 0 : index
        %get3A_170 = tpu.vector_load %arg6[%get3A_168, %get3A_169] {strides = array<i32>} : memref<64x128xf32, #tpu.memory_space<vmem>>, vector<16xf32>,
        %add3A_171 = arith.addf %add3A_165, %get3A_170 : vector<16xf32>
        scf.yield %add3A_171 : vector<16xf32>
      }
      %scan3A_60 = arith.constant 64 : i32
      %mul3A_61 = arith.mulf %scan3A_59, %div3A_52 : vector<16xf32>
      %swap3A = arith.index_cast %scan3A_8 : i32 to index
      %swap3A_62 = arith.constant 0 : index
      %swap3A_63 = tpu.vector_load %arg7[%swap3A, %swap3A_62] {strides = array<i32>} : memref<32x128xf32, #tpu.memory_space<vmem>>, vector<16xf32>,
      tpu.vector_store %arg7[%swap3A, %swap3A_62], %mul3A_61 {strides = array<i32>} : memref<32x128xf32, #tpu.memory_space<vmem>>, vector<16xf32>,
      %broadcast_in_dim3A_64 = arith.constant 0.000000e+00 : f32
      %broadcast_in_dim3A_65 = vector.broadcast %broadcast_in_dim3A_64 : f32 to vector<16xf32>
      %scan3A_66 = arith.constant 0 : i32
      %scan3A_67 = arith.constant 64 : i32
      %scan3A_68 = arith.addi %scan3A_66, %scan3A_67 : i32
      %scan3A_69 = arith.constant 4 : i32
      %scan3A_70 = scf.for %scan3A_148 = %scan3A_66 to %scan3A_68 step %scan3A_69 iter_args(%scan3A_149 = %broadcast_in_dim3A_65) -> (vector<16xf32>)  : i32 {
        %get3A_150 = arith.index_cast %scan3A_148 : i32 to index
        %get3A_151 = arith.constant 16 : index
        %get3A_152 = tpu.vector_load %arg6[%get3A_150, %get3A_151] {strides = array<i32>} : memref<64x128xf32, #tpu.memory_space<vmem>>, vector<16xf32>,
        %add3A_153 = arith.addf %scan3A_149, %get3A_152 : vector<16xf32>
        %scan3A_154 = arith.constant 1 : i32
        %scan3A_155 = arith.addi %scan3A_148, %scan3A_154 : i32
        %get3A_156 = arith.index_cast %scan3A_155 : i32 to index
        %get3A_157 = arith.constant 16 : index
        %get3A_158 = tpu.vector_load %arg6[%get3A_156, %get3A_157] {strides = array<i32>} : memref<64x128xf32, #tpu.memory_space<vmem>>, vector<16xf32>,
        %add3A_159 = arith.addf %add3A_153, %get3A_158 : vector<16xf32>
        %scan3A_160 = arith.constant 2 : i32
        %scan3A_161 = arith.addi %scan3A_148, %scan3A_160 : i32
        %get3A_162 = arith.index_cast %scan3A_161 : i32 to index
        %get3A_163 = arith.constant 16 : index
        %get3A_164 = tpu.vector_load %arg6[%get3A_162, %get3A_163] {strides = array<i32>} : memref<64x128xf32, #tpu.memory_space<vmem>>, vector<16xf32>,
        %add3A_165 = arith.addf %add3A_159, %get3A_164 : vector<16xf32>
        %scan3A_166 = arith.constant 3 : i32
        %scan3A_167 = arith.addi %scan3A_148, %scan3A_166 : i32
        %get3A_168 = arith.index_cast %scan3A_167 : i32 to index
        %get3A_169 = arith.constant 16 : index
        %get3A_170 = tpu.vector_load %arg6[%get3A_168, %get3A_169] {strides = array<i32>} : memref<64x128xf32, #tpu.memory_space<vmem>>, vector<16xf32>,
        %add3A_171 = arith.addf %add3A_165, %get3A_170 : vector<16xf32>
        scf.yield %add3A_171 : vector<16xf32>
      }
      %scan3A_71 = arith.constant 64 : i32
      %mul3A_72 = arith.mulf %scan3A_70, %div3A_52 : vector<16xf32>
      %swap3A_73 = arith.index_cast %scan3A_8 : i32 to index
      %swap3A_74 = arith.constant 16 : index
      %swap3A_75 = tpu.vector_load %arg7[%swap3A_73, %swap3A_74] {strides = array<i32>} : memref<32x128xf32, #tpu.memory_space<vmem>>, vector<16xf32>,
      tpu.vector_store %arg7[%swap3A_73, %swap3A_74], %mul3A_72 {strides = array<i32>} : memref<32x128xf32, #tpu.memory_space<vmem>>, vector<16xf32>,
      %broadcast_in_dim3A_76 = arith.constant 0.000000e+00 : f32
      %broadcast_in_dim3A_77 = vector.broadcast %broadcast_in_dim3A_76 : f32 to vector<16xf32>
      %scan3A_78 = arith.constant 0 : i32
      %scan3A_79 = arith.constant 64 : i32
      %scan3A_80 = arith.addi %scan3A_78, %scan3A_79 : i32
      %scan3A_81 = arith.constant 4 : i32
      %scan3A_82 = scf.for %scan3A_148 = %scan3A_78 to %scan3A_80 step %scan3A_81 iter_args(%scan3A_149 = %broadcast_in_dim3A_77) -> (vector<16xf32>)  : i32 {
        %get3A_150 = arith.index_cast %scan3A_148 : i32 to index
        %get3A_151 = arith.constant 32 : index
        %get3A_152 = tpu.vector_load %arg6[%get3A_150, %get3A_151] {strides = array<i32>} : memref<64x128xf32, #tpu.memory_space<vmem>>, vector<16xf32>,
        %add3A_153 = arith.addf %scan3A_149, %get3A_152 : vector<16xf32>
        %scan3A_154 = arith.constant 1 : i32
        %scan3A_155 = arith.addi %scan3A_148, %scan3A_154 : i32
        %get3A_156 = arith.index_cast %scan3A_155 : i32 to index
        %get3A_157 = arith.constant 32 : index
        %get3A_158 = tpu.vector_load %arg6[%get3A_156, %get3A_157] {strides = array<i32>} : memref<64x128xf32, #tpu.memory_space<vmem>>, vector<16xf32>,
        %add3A_159 = arith.addf %add3A_153, %get3A_158 : vector<16xf32>
        %scan3A_160 = arith.constant 2 : i32
        %scan3A_161 = arith.addi %scan3A_148, %scan3A_160 : i32
        %get3A_162 = arith.index_cast %scan3A_161 : i32 to index
        %get3A_163 = arith.constant 32 : index
        %get3A_164 = tpu.vector_load %arg6[%get3A_162, %get3A_163] {strides = array<i32>} : memref<64x128xf32, #tpu.memory_space<vmem>>, vector<16xf32>,
        %add3A_165 = arith.addf %add3A_159, %get3A_164 : vector<16xf32>
        %scan3A_166 = arith.constant 3 : i32
        %scan3A_167 = arith.addi %scan3A_148, %scan3A_166 : i32
        %get3A_168 = arith.index_cast %scan3A_167 : i32 to index
        %get3A_169 = arith.constant 32 : index
        %get3A_170 = tpu.vector_load %arg6[%get3A_168, %get3A_169] {strides = array<i32>} : memref<64x128xf32, #tpu.memory_space<vmem>>, vector<16xf32>,
        %add3A_171 = arith.addf %add3A_165, %get3A_170 : vector<16xf32>
        scf.yield %add3A_171 : vector<16xf32>
      }
      %scan3A_83 = arith.constant 64 : i32
      %mul3A_84 = arith.mulf %scan3A_82, %div3A_52 : vector<16xf32>
      %swap3A_85 = arith.index_cast %scan3A_8 : i32 to index
      %swap3A_86 = arith.constant 32 : index
      %swap3A_87 = tpu.vector_load %arg7[%swap3A_85, %swap3A_86] {strides = array<i32>} : memref<32x128xf32, #tpu.memory_space<vmem>>, vector<16xf32>,
      tpu.vector_store %arg7[%swap3A_85, %swap3A_86], %mul3A_84 {strides = array<i32>} : memref<32x128xf32, #tpu.memory_space<vmem>>, vector<16xf32>,
      %broadcast_in_dim3A_88 = arith.constant 0.000000e+00 : f32
      %broadcast_in_dim3A_89 = vector.broadcast %broadcast_in_dim3A_88 : f32 to vector<16xf32>
      %scan3A_90 = arith.constant 0 : i32
      %scan3A_91 = arith.constant 64 : i32
      %scan3A_92 = arith.addi %scan3A_90, %scan3A_91 : i32
      %scan3A_93 = arith.constant 4 : i32
      %scan3A_94 = scf.for %scan3A_148 = %scan3A_90 to %scan3A_92 step %scan3A_93 iter_args(%scan3A_149 = %broadcast_in_dim3A_89) -> (vector<16xf32>)  : i32 {
        %get3A_150 = arith.index_cast %scan3A_148 : i32 to index
        %get3A_151 = arith.constant 48 : index
        %get3A_152 = tpu.vector_load %arg6[%get3A_150, %get3A_151] {strides = array<i32>} : memref<64x128xf32, #tpu.memory_space<vmem>>, vector<16xf32>,
        %add3A_153 = arith.addf %scan3A_149, %get3A_152 : vector<16xf32>
        %scan3A_154 = arith.constant 1 : i32
        %scan3A_155 = arith.addi %scan3A_148, %scan3A_154 : i32
        %get3A_156 = arith.index_cast %scan3A_155 : i32 to index
        %get3A_157 = arith.constant 48 : index
        %get3A_158 = tpu.vector_load %arg6[%get3A_156, %get3A_157] {strides = array<i32>} : memref<64x128xf32, #tpu.memory_space<vmem>>, vector<16xf32>,
        %add3A_159 = arith.addf %add3A_153, %get3A_158 : vector<16xf32>
        %scan3A_160 = arith.constant 2 : i32
        %scan3A_161 = arith.addi %scan3A_148, %scan3A_160 : i32
        %get3A_162 = arith.index_cast %scan3A_161 : i32 to index
        %get3A_163 = arith.constant 48 : index
        %get3A_164 = tpu.vector_load %arg6[%get3A_162, %get3A_163] {strides = array<i32>} : memref<64x128xf32, #tpu.memory_space<vmem>>, vector<16xf32>,
        %add3A_165 = arith.addf %add3A_159, %get3A_164 : vector<16xf32>
        %scan3A_166 = arith.constant 3 : i32
        %scan3A_167 = arith.addi %scan3A_148, %scan3A_166 : i32
        %get3A_168 = arith.index_cast %scan3A_167 : i32 to index
        %get3A_169 = arith.constant 48 : index
        %get3A_170 = tpu.vector_load %arg6[%get3A_168, %get3A_169] {strides = array<i32>} : memref<64x128xf32, #tpu.memory_space<vmem>>, vector<16xf32>,
        %add3A_171 = arith.addf %add3A_165, %get3A_170 : vector<16xf32>
        scf.yield %add3A_171 : vector<16xf32>
      }
      %scan3A_95 = arith.constant 64 : i32
      %mul3A_96 = arith.mulf %scan3A_94, %div3A_52 : vector<16xf32>
      %swap3A_97 = arith.index_cast %scan3A_8 : i32 to index
      %swap3A_98 = arith.constant 48 : index
      %swap3A_99 = tpu.vector_load %arg7[%swap3A_97, %swap3A_98] {strides = array<i32>} : memref<32x128xf32, #tpu.memory_space<vmem>>, vector<16xf32>,
      tpu.vector_store %arg7[%swap3A_97, %swap3A_98], %mul3A_96 {strides = array<i32>} : memref<32x128xf32, #tpu.memory_space<vmem>>, vector<16xf32>,
      %broadcast_in_dim3A_100 = arith.constant 0.000000e+00 : f32
      %broadcast_in_dim3A_101 = vector.broadcast %broadcast_in_dim3A_100 : f32 to vector<16xf32>
      %scan3A_102 = arith.constant 0 : i32
      %scan3A_103 = arith.constant 64 : i32
      %scan3A_104 = arith.addi %scan3A_102, %scan3A_103 : i32
      %scan3A_105 = arith.constant 4 : i32
      %scan3A_106 = scf.for %scan3A_148 = %scan3A_102 to %scan3A_104 step %scan3A_105 iter_args(%scan3A_149 = %broadcast_in_dim3A_101) -> (vector<16xf32>)  : i32 {
        %get3A_150 = arith.index_cast %scan3A_148 : i32 to index
        %get3A_151 = arith.constant 64 : index
        %get3A_152 = tpu.vector_load %arg6[%get3A_150, %get3A_151] {strides = array<i32>} : memref<64x128xf32, #tpu.memory_space<vmem>>, vector<16xf32>,
        %add3A_153 = arith.addf %scan3A_149, %get3A_152 : vector<16xf32>
        %scan3A_154 = arith.constant 1 : i32
        %scan3A_155 = arith.addi %scan3A_148, %scan3A_154 : i32
        %get3A_156 = arith.index_cast %scan3A_155 : i32 to index
        %get3A_157 = arith.constant 64 : index
        %get3A_158 = tpu.vector_load %arg6[%get3A_156, %get3A_157] {strides = array<i32>} : memref<64x128xf32, #tpu.memory_space<vmem>>, vector<16xf32>,
        %add3A_159 = arith.addf %add3A_153, %get3A_158 : vector<16xf32>
        %scan3A_160 = arith.constant 2 : i32
        %scan3A_161 = arith.addi %scan3A_148, %scan3A_160 : i32
        %get3A_162 = arith.index_cast %scan3A_161 : i32 to index
        %get3A_163 = arith.constant 64 : index
        %get3A_164 = tpu.vector_load %arg6[%get3A_162, %get3A_163] {strides = array<i32>} : memref<64x128xf32, #tpu.memory_space<vmem>>, vector<16xf32>,
        %add3A_165 = arith.addf %add3A_159, %get3A_164 : vector<16xf32>
        %scan3A_166 = arith.constant 3 : i32
        %scan3A_167 = arith.addi %scan3A_148, %scan3A_166 : i32
        %get3A_168 = arith.index_cast %scan3A_167 : i32 to index
        %get3A_169 = arith.constant 64 : index
        %get3A_170 = tpu.vector_load %arg6[%get3A_168, %get3A_169] {strides = array<i32>} : memref<64x128xf32, #tpu.memory_space<vmem>>, vector<16xf32>,
        %add3A_171 = arith.addf %add3A_165, %get3A_170 : vector<16xf32>
        scf.yield %add3A_171 : vector<16xf32>
      }
      %scan3A_107 = arith.constant 64 : i32
      %mul3A_108 = arith.mulf %scan3A_106, %div3A_52 : vector<16xf32>
      %swap3A_109 = arith.index_cast %scan3A_8 : i32 to index
      %swap3A_110 = arith.constant 64 : index
      %swap3A_111 = tpu.vector_load %arg7[%swap3A_109, %swap3A_110] {strides = array<i32>} : memref<32x128xf32, #tpu.memory_space<vmem>>, vector<16xf32>,
      tpu.vector_store %arg7[%swap3A_109, %swap3A_110], %mul3A_108 {strides = array<i32>} : memref<32x128xf32, #tpu.memory_space<vmem>>, vector<16xf32>,
      %broadcast_in_dim3A_112 = arith.constant 0.000000e+00 : f32
      %broadcast_in_dim3A_113 = vector.broadcast %broadcast_in_dim3A_112 : f32 to vector<16xf32>
      %scan3A_114 = arith.constant 0 : i32
      %scan3A_115 = arith.constant 64 : i32
      %scan3A_116 = arith.addi %scan3A_114, %scan3A_115 : i32
      %scan3A_117 = arith.constant 4 : i32
      %scan3A_118 = scf.for %scan3A_148 = %scan3A_114 to %scan3A_116 step %scan3A_117 iter_args(%scan3A_149 = %broadcast_in_dim3A_113) -> (vector<16xf32>)  : i32 {
        %get3A_150 = arith.index_cast %scan3A_148 : i32 to index
        %get3A_151 = arith.constant 80 : index
        %get3A_152 = tpu.vector_load %arg6[%get3A_150, %get3A_151] {strides = array<i32>} : memref<64x128xf32, #tpu.memory_space<vmem>>, vector<16xf32>,
        %add3A_153 = arith.addf %scan3A_149, %get3A_152 : vector<16xf32>
        %scan3A_154 = arith.constant 1 : i32
        %scan3A_155 = arith.addi %scan3A_148, %scan3A_154 : i32
        %get3A_156 = arith.index_cast %scan3A_155 : i32 to index
        %get3A_157 = arith.constant 80 : index
        %get3A_158 = tpu.vector_load %arg6[%get3A_156, %get3A_157] {strides = array<i32>} : memref<64x128xf32, #tpu.memory_space<vmem>>, vector<16xf32>,
        %add3A_159 = arith.addf %add3A_153, %get3A_158 : vector<16xf32>
        %scan3A_160 = arith.constant 2 : i32
        %scan3A_161 = arith.addi %scan3A_148, %scan3A_160 : i32
        %get3A_162 = arith.index_cast %scan3A_161 : i32 to index
        %get3A_163 = arith.constant 80 : index
        %get3A_164 = tpu.vector_load %arg6[%get3A_162, %get3A_163] {strides = array<i32>} : memref<64x128xf32, #tpu.memory_space<vmem>>, vector<16xf32>,
        %add3A_165 = arith.addf %add3A_159, %get3A_164 : vector<16xf32>
        %scan3A_166 = arith.constant 3 : i32
        %scan3A_167 = arith.addi %scan3A_148, %scan3A_166 : i32
        %get3A_168 = arith.index_cast %scan3A_167 : i32 to index
        %get3A_169 = arith.constant 80 : index
        %get3A_170 = tpu.vector_load %arg6[%get3A_168, %get3A_169] {strides = array<i32>} : memref<64x128xf32, #tpu.memory_space<vmem>>, vector<16xf32>,
        %add3A_171 = arith.addf %add3A_165, %get3A_170 : vector<16xf32>
        scf.yield %add3A_171 : vector<16xf32>
      }
      %scan3A_119 = arith.constant 64 : i32
      %mul3A_120 = arith.mulf %scan3A_118, %div3A_52 : vector<16xf32>
      %swap3A_121 = arith.index_cast %scan3A_8 : i32 to index
      %swap3A_122 = arith.constant 80 : index
      %swap3A_123 = tpu.vector_load %arg7[%swap3A_121, %swap3A_122] {strides = array<i32>} : memref<32x128xf32, #tpu.memory_space<vmem>>, vector<16xf32>,
      tpu.vector_store %arg7[%swap3A_121, %swap3A_122], %mul3A_120 {strides = array<i32>} : memref<32x128xf32, #tpu.memory_space<vmem>>, vector<16xf32>,
      %broadcast_in_dim3A_124 = arith.constant 0.000000e+00 : f32
      %broadcast_in_dim3A_125 = vector.broadcast %broadcast_in_dim3A_124 : f32 to vector<16xf32>
      %scan3A_126 = arith.constant 0 : i32
      %scan3A_127 = arith.constant 64 : i32
      %scan3A_128 = arith.addi %scan3A_126, %scan3A_127 : i32
      %scan3A_129 = arith.constant 4 : i32
      %scan3A_130 = scf.for %scan3A_148 = %scan3A_126 to %scan3A_128 step %scan3A_129 iter_args(%scan3A_149 = %broadcast_in_dim3A_125) -> (vector<16xf32>)  : i32 {
        %get3A_150 = arith.index_cast %scan3A_148 : i32 to index
        %get3A_151 = arith.constant 96 : index
        %get3A_152 = tpu.vector_load %arg6[%get3A_150, %get3A_151] {strides = array<i32>} : memref<64x128xf32, #tpu.memory_space<vmem>>, vector<16xf32>,
        %add3A_153 = arith.addf %scan3A_149, %get3A_152 : vector<16xf32>
        %scan3A_154 = arith.constant 1 : i32
        %scan3A_155 = arith.addi %scan3A_148, %scan3A_154 : i32
        %get3A_156 = arith.index_cast %scan3A_155 : i32 to index
        %get3A_157 = arith.constant 96 : index
        %get3A_158 = tpu.vector_load %arg6[%get3A_156, %get3A_157] {strides = array<i32>} : memref<64x128xf32, #tpu.memory_space<vmem>>, vector<16xf32>,
        %add3A_159 = arith.addf %add3A_153, %get3A_158 : vector<16xf32>
        %scan3A_160 = arith.constant 2 : i32
        %scan3A_161 = arith.addi %scan3A_148, %scan3A_160 : i32
        %get3A_162 = arith.index_cast %scan3A_161 : i32 to index
        %get3A_163 = arith.constant 96 : index
        %get3A_164 = tpu.vector_load %arg6[%get3A_162, %get3A_163] {strides = array<i32>} : memref<64x128xf32, #tpu.memory_space<vmem>>, vector<16xf32>,
        %add3A_165 = arith.addf %add3A_159, %get3A_164 : vector<16xf32>
        %scan3A_166 = arith.constant 3 : i32
        %scan3A_167 = arith.addi %scan3A_148, %scan3A_166 : i32
        %get3A_168 = arith.index_cast %scan3A_167 : i32 to index
        %get3A_169 = arith.constant 96 : index
        %get3A_170 = tpu.vector_load %arg6[%get3A_168, %get3A_169] {strides = array<i32>} : memref<64x128xf32, #tpu.memory_space<vmem>>, vector<16xf32>,
        %add3A_171 = arith.addf %add3A_165, %get3A_170 : vector<16xf32>
        scf.yield %add3A_171 : vector<16xf32>
      }
      %scan3A_131 = arith.constant 64 : i32
      %mul3A_132 = arith.mulf %scan3A_130, %div3A_52 : vector<16xf32>
      %swap3A_133 = arith.index_cast %scan3A_8 : i32 to index
      %swap3A_134 = arith.constant 96 : index
      %swap3A_135 = tpu.vector_load %arg7[%swap3A_133, %swap3A_134] {strides = array<i32>} : memref<32x128xf32, #tpu.memory_space<vmem>>, vector<16xf32>,
      tpu.vector_store %arg7[%swap3A_133, %swap3A_134], %mul3A_132 {strides = array<i32>} : memref<32x128xf32, #tpu.memory_space<vmem>>, vector<16xf32>,
      %broadcast_in_dim3A_136 = arith.constant 0.000000e+00 : f32
      %broadcast_in_dim3A_137 = vector.broadcast %broadcast_in_dim3A_136 : f32 to vector<16xf32>
      %scan3A_138 = arith.constant 0 : i32
      %scan3A_139 = arith.constant 64 : i32
      %scan3A_140 = arith.addi %scan3A_138, %scan3A_139 : i32
      %scan3A_141 = arith.constant 4 : i32
      %scan3A_142 = scf.for %scan3A_148 = %scan3A_138 to %scan3A_140 step %scan3A_141 iter_args(%scan3A_149 = %broadcast_in_dim3A_137) -> (vector<16xf32>)  : i32 {
        %get3A_150 = arith.index_cast %scan3A_148 : i32 to index
        %get3A_151 = arith.constant 112 : index
        %get3A_152 = tpu.vector_load %arg6[%get3A_150, %get3A_151] {strides = array<i32>} : memref<64x128xf32, #tpu.memory_space<vmem>>, vector<16xf32>,
        %add3A_153 = arith.addf %scan3A_149, %get3A_152 : vector<16xf32>
        %scan3A_154 = arith.constant 1 : i32
        %scan3A_155 = arith.addi %scan3A_148, %scan3A_154 : i32
        %get3A_156 = arith.index_cast %scan3A_155 : i32 to index
        %get3A_157 = arith.constant 112 : index
        %get3A_158 = tpu.vector_load %arg6[%get3A_156, %get3A_157] {strides = array<i32>} : memref<64x128xf32, #tpu.memory_space<vmem>>, vector<16xf32>,
        %add3A_159 = arith.addf %add3A_153, %get3A_158 : vector<16xf32>
        %scan3A_160 = arith.constant 2 : i32
        %scan3A_161 = arith.addi %scan3A_148, %scan3A_160 : i32
        %get3A_162 = arith.index_cast %scan3A_161 : i32 to index
        %get3A_163 = arith.constant 112 : index
        %get3A_164 = tpu.vector_load %arg6[%get3A_162, %get3A_163] {strides = array<i32>} : memref<64x128xf32, #tpu.memory_space<vmem>>, vector<16xf32>,
        %add3A_165 = arith.addf %add3A_159, %get3A_164 : vector<16xf32>
        %scan3A_166 = arith.constant 3 : i32
        %scan3A_167 = arith.addi %scan3A_148, %scan3A_166 : i32
        %get3A_168 = arith.index_cast %scan3A_167 : i32 to index
        %get3A_169 = arith.constant 112 : index
        %get3A_170 = tpu.vector_load %arg6[%get3A_168, %get3A_169] {strides = array<i32>} : memref<64x128xf32, #tpu.memory_space<vmem>>, vector<16xf32>,
        %add3A_171 = arith.addf %add3A_165, %get3A_170 : vector<16xf32>
        scf.yield %add3A_171 : vector<16xf32>
      }
      %scan3A_143 = arith.constant 64 : i32
      %mul3A_144 = arith.mulf %scan3A_142, %div3A_52 : vector<16xf32>
      %swap3A_145 = arith.index_cast %scan3A_8 : i32 to index
      %swap3A_146 = arith.constant 112 : index
      %swap3A_147 = tpu.vector_load %arg7[%swap3A_145, %swap3A_146] {strides = array<i32>} : memref<32x128xf32, #tpu.memory_space<vmem>>, vector<16xf32>,
      tpu.vector_store %arg7[%swap3A_145, %swap3A_146], %mul3A_144 {strides = array<i32>} : memref<32x128xf32, #tpu.memory_space<vmem>>, vector<16xf32>,
    }
    %scan3A_7 = arith.constant 32 : i32
    "tpu.region"() ({
      %run_scoped3A = tpu.sem_alloc : memref<!tpu.dma_semaphore, #tpu.memory_space<semaphore_mem>>
      %dma_start3A = arith.constant 0 : i32
      %dma_start3A_8 = tpu.memref_slice %arg4[%mul3A_2, %dma_start3A] : memref<1024x128xf32, #tpu.memory_space<hbm>> -> memref<32x128xf32, #tpu.memory_space<hbm>>
      %dma_start3A_9 = arith.constant 0 : i32
      %dma_start3A_10 = tpu.memref_slice %arg4[%mul3A_2, %dma_start3A_9] : memref<1024x128xf32, #tpu.memory_space<hbm>> -> memref<32x128xf32, #tpu.memory_space<hbm>>
      tpu.enqueue_dma source(%arg7 : memref<32x128xf32, #tpu.memory_space<vmem>>) target(%dma_start3A_10 : memref<32x128xf32, #tpu.memory_space<hbm>>) target_semaphore(%run_scoped3A : memref<!tpu.dma_semaphore, #tpu.memory_space<semaphore_mem>>)
      %dma_wait3A = arith.constant 0 : i32
      %dma_wait3A_11 = tpu.memref_slice %arg4[%mul3A_2, %dma_wait3A] : memref<1024x128xf32, #tpu.memory_space<hbm>> -> memref<32x128xf32, #tpu.memory_space<hbm>>
      %dma_wait3A_12 = arith.constant 0 : i32
      %dma_wait3A_13 = tpu.memref_slice %arg4[%mul3A_2, %dma_wait3A_12] : memref<1024x128xf32, #tpu.memory_space<hbm>> -> memref<32x128xf32, #tpu.memory_space<hbm>>
      tpu.wait_dma2 semaphore(%run_scoped3A : memref<!tpu.dma_semaphore, #tpu.memory_space<semaphore_mem>>) src(%arg7 : memref<32x128xf32, #tpu.memory_space<vmem>>) dst(%dma_wait3A_13 : memref<32x128xf32, #tpu.memory_space<hbm>>)
      tpu.yield
    }) : () -> ()
    return
  }
}

module attributes {stable_mosaic.version = 14 : i64} {
  func.func @body(%arg0: i32, %arg1: memref<2x1264x128xf32, #tpu.memory_space<vmem>>, %arg2: memref<1264x128xf32, #tpu.memory_space<vmem>>) attributes {dimension_semantics = [#tpu.dimension_semantics<arbitrary>], iteration_bounds = array<i64: 8>, scalar_prefetch = 0 : i64, scratch_operands = 0 : i64, tpu.core_type = #tpu.core_type<tc>, window_params = [{transform_indices = @transform_0, window_bounds = array<i64: 2, 1264, 128>}, {transform_indices = @transform_1, window_bounds = array<i64: 1264, 128>}]} {
    %get3A = arith.constant 0 : index
    %get3A_0 = arith.constant 0 : index
    %get3A_1 = arith.constant 0 : index
    %get3A_2 = vector.load %arg1[%get3A, %get3A_0, %get3A_1] : memref<2x1264x128xf32, #tpu.memory_space<vmem>>, vector<1x1264x128xf32>
    %get3A_3 = vector.shape_cast %get3A_2 : vector<1x1264x128xf32> to vector<1264x128xf32>
    %get3A_4 = arith.constant 1 : index
    %get3A_5 = arith.constant 0 : index
    %get3A_6 = arith.constant 0 : index
    %get3A_7 = vector.load %arg1[%get3A_4, %get3A_5, %get3A_6] : memref<2x1264x128xf32, #tpu.memory_space<vmem>>, vector<1x1264x128xf32>
    %get3A_8 = vector.shape_cast %get3A_7 : vector<1x1264x128xf32> to vector<1264x128xf32>
    %add3A = arith.addf %get3A_3, %get3A_8 : vector<1264x128xf32>
    %max3A = arith.constant 0.000000e+00 : f32
    %max3A_9 = vector.broadcast %max3A : f32 to vector<1264x128xf32>
    %max3A_10 = arith.maximumf %add3A, %max3A_9 : vector<1264x128xf32>
    %swap3A = arith.constant 0 : index
    %swap3A_11 = arith.constant 0 : index
    %swap3A_12 = vector.load %arg2[%swap3A, %swap3A_11] : memref<1264x128xf32, #tpu.memory_space<vmem>>, vector<1264x128xf32>
    tpu.vector_store %arg2[%swap3A, %swap3A_11], %max3A_10 {strides = array<i32>} : memref<1264x128xf32, #tpu.memory_space<vmem>>, vector<1264x128xf32>,
    return
  }
  func.func @transform_0(%arg0: i32) -> (i32, i32, i32) {
    %c0_i32 = arith.constant 0 : i32
    %c0_i32_0 = arith.constant 0 : i32
    %c0_i32_1 = arith.constant 0 : i32
    return %c0_i32, %arg0, %c0_i32_0 : i32, i32, i32
  }
  func.func @transform_1(%arg0: i32) -> (i32, i32) {
    %c0_i32 = arith.constant 0 : i32
    %c0_i32_0 = arith.constant 0 : i32
    return %arg0, %c0_i32 : i32, i32
  }
}

module attributes {stable_mosaic.version = 14 : i64} {
  func.func @body(%arg0: i32, %arg1: memref<2x1264x128xf32, #tpu.memory_space<vmem>>, %arg2: memref<1264x128xf32, #tpu.memory_space<vmem>>, %arg3: memref<1264x128xf32, #tpu.memory_space<vmem>>, %arg4: memref<1264x128xf32, #tpu.memory_space<vmem>>) attributes {dimension_semantics = [#tpu.dimension_semantics<arbitrary>], iteration_bounds = array<i64: 8>, scalar_prefetch = 0 : i64, scratch_operands = 0 : i64, tpu.core_type = #tpu.core_type<tc>, window_params = [{transform_indices = @transform_0, window_bounds = array<i64: 2, 1264, 128>}, {transform_indices = @transform_1, window_bounds = array<i64: 1264, 128>}, {transform_indices = @transform_2, window_bounds = array<i64: 1264, 128>}, {transform_indices = @transform_3, window_bounds = array<i64: 1264, 128>}]} {
    %get3A = arith.constant 0 : index
    %get3A_0 = arith.constant 0 : index
    %get3A_1 = arith.constant 0 : index
    %get3A_2 = vector.load %arg1[%get3A, %get3A_0, %get3A_1] : memref<2x1264x128xf32, #tpu.memory_space<vmem>>, vector<1x1264x128xf32>
    %get3A_3 = vector.shape_cast %get3A_2 : vector<1x1264x128xf32> to vector<1264x128xf32>
    %get3A_4 = arith.constant 1 : index
    %get3A_5 = arith.constant 0 : index
    %get3A_6 = arith.constant 0 : index
    %get3A_7 = vector.load %arg1[%get3A_4, %get3A_5, %get3A_6] : memref<2x1264x128xf32, #tpu.memory_space<vmem>>, vector<1x1264x128xf32>
    %get3A_8 = vector.shape_cast %get3A_7 : vector<1x1264x128xf32> to vector<1264x128xf32>
    %add3A = arith.addf %get3A_3, %get3A_8 : vector<1264x128xf32>
    %max3A = arith.constant 0.000000e+00 : f32
    %max3A_9 = vector.broadcast %max3A : f32 to vector<1264x128xf32>
    %max3A_10 = arith.maximumf %add3A, %max3A_9 : vector<1264x128xf32>
    %get3A_11 = arith.constant 0 : index
    %get3A_12 = arith.constant 0 : index
    %get3A_13 = vector.load %arg2[%get3A_11, %get3A_12] : memref<1264x128xf32, #tpu.memory_space<vmem>>, vector<1264x128xf32>
    %get3A_14 = arith.constant 0 : index
    %get3A_15 = arith.constant 0 : index
    %get3A_16 = vector.load %arg3[%get3A_14, %get3A_15] : memref<1264x128xf32, #tpu.memory_space<vmem>>, vector<1264x128xf32>
    %add3A_17 = arith.addf %get3A_13, %get3A_16 : vector<1264x128xf32>
    %add3A_18 = arith.addf %add3A_17, %max3A_10 : vector<1264x128xf32>
    %mul3A = arith.constant 0.333333343 : f32
    %mul3A_19 = vector.broadcast %mul3A : f32 to vector<1264x128xf32>
    %mul3A_20 = arith.mulf %add3A_18, %mul3A_19 : vector<1264x128xf32>
    %swap3A = arith.constant 0 : index
    %swap3A_21 = arith.constant 0 : index
    %swap3A_22 = vector.load %arg4[%swap3A, %swap3A_21] : memref<1264x128xf32, #tpu.memory_space<vmem>>, vector<1264x128xf32>
    tpu.vector_store %arg4[%swap3A, %swap3A_21], %mul3A_20 {strides = array<i32>} : memref<1264x128xf32, #tpu.memory_space<vmem>>, vector<1264x128xf32>,
    return
  }
  func.func @transform_0(%arg0: i32) -> (i32, i32, i32) {
    %c0_i32 = arith.constant 0 : i32
    %c0_i32_0 = arith.constant 0 : i32
    %c0_i32_1 = arith.constant 0 : i32
    return %c0_i32, %arg0, %c0_i32_0 : i32, i32, i32
  }
  func.func @transform_1(%arg0: i32) -> (i32, i32) {
    %c0_i32 = arith.constant 0 : i32
    %c0_i32_0 = arith.constant 0 : i32
    return %arg0, %c0_i32 : i32, i32
  }
  func.func @transform_2(%arg0: i32) -> (i32, i32) {
    %c0_i32 = arith.constant 0 : i32
    %c0_i32_0 = arith.constant 0 : i32
    return %arg0, %c0_i32 : i32, i32
  }
  func.func @transform_3(%arg0: i32) -> (i32, i32) {
    %c0_i32 = arith.constant 0 : i32
    %c0_i32_0 = arith.constant 0 : i32
    return %arg0, %c0_i32 : i32, i32
  }
}

</mosaic_0001>

<sc_bundles>
// kernel: kernel.10.cloned.1.call-start
scs
__scs_entry_jumppad:
0x0: {  	(pc) =	sbr.rel $0x88, $3  }
0x1: {  	(tag) =	ssettag $0x0;
	lr =	simm.s32 $0x1  }
0x2: {  	[smem:$0x3F9D] =	sst lr;
	_ =	strace $0xD0000000  }
0x3: {  	_ = 	snop  }
0x4: {  	_ = 	snop  }
0x5: {  	_ = 	snop  }
0x6: {  	_ = 	snop  }
0x7: {  	_ = 	snop  }
__scs_overlays_trampoline_lowered:
0x8: {  	[smem:$0x3FAC] =	sst s0  }
0x9: {  	[smem:$0x3FAD] =	sst s1  }
0xa: {  	[smem:$0x3FAE] =	sst s2  }
0xb: {  	[smem:$0x3FAF] =	sst s3  }
0xc: {  	[smem:$0x3FB0] =	sst s4  }
0xd: {  	[smem:$0x3FB1] =	sst s5  }
0xe: {  	[smem:$0x3FB2] =	sst s6  }
0xf: {  	[smem:$0x3FB3] =	sst s7  }
0x10: {  	[smem:$0x3FB4] =	sst s8  }
0x11: {  	[smem:$0x3FB5] =	sst s9;
	s0 =	simm.s32 @!p0 $0x0  }
0x12: {  	s1 =	sld [smem:$0x3F9B];
	s0 =	simm.s32 @p0 $0x1  }
0x13: {  	[smem:$0x3FB6] =	sst s0;
	s0 =	simm.s32 @!p1 $0x0  }
0x14: {  	s2 =	sld [smem:$0x3F9A];
	s0 =	simm.s32 @p1 $0x1  }
0x15: {  	[smem:$0x3FB7] =	sst s0;
	s0 =	simm.s32 @!p2 $0x0  }
0x16: {  	s3 =	sld [smem:$0x3FDB];
	s0 =	simm.s32 @p2 $0x1  }
0x17: {  	s4 =	simm.s32 $0x1BF5;
	[smem:$0x3FB9] =	sst s0  }
0x18: {  	s0 =	sld [smem:$0x3F9C];
	_ =	swait.ge [sflag:s4], $0x0  }
0x19: {  	s7 =	sld [smem:$0x3F9D]  }
0x1a: {  	s8 =	sadd.s32 $0xFFFFE003, lr  }
0x1b: {  	s9 =	sadd.s32 $0xFFFFFEF7, lr;
	s5 =	simm.s32 $0xFFFFFFFF;
	p2 =	slt.u32 s8, $0xFFFFF086  }
0x1c: {  	p1 =	slt.u32 s9, $0xF7A;
	s5 =	simm.s32 @!p2 $0x0  }
0x1d: {  	s5 =	simm.s32 @p1 $0x1;
	p0 =	seq.s32 s7, s2  }
0x1e: {  	s7 =	smul.u32 @!p0 $0xF7A, s2;
	p2 =	seq.s32 @!p0 s5, $0x0  }
0x1f: {  	s9 =	smul.u32 $0xF7A, s1;
	s8 =	simm.s32 @!p0 $0x1BF5;
	p2 =	por !p2, p0  }
0x20: {  	[sflag:s8] =	ssyncset.s32 @!p0 $0xFFFFF086;
	s6 =	sadd.s32 @!p0 s3, s7;
	s7 =	simm.s32 @!p0 $0x108  }
0x21: {  	s3 =	sadd.s32 s3, s9;
	s6 =	sadd.s32 @!p0 $0x88, s6;
	s7 =	simm.s32 @p2 $0x1082  }
0x22: {  	[simem:s7], [sflag:s8] =	dma.local @!p0 [hbm:s6], $0xF7A  }
0x23: {  	s9 =	sor.u32 $0xD0000000, s2;
	s6 =	simm.s32 $0x108;
	_ =	swait.ge @!p0 [sflag:s8], $0x0  }
0x24: {  	s3 =	sadd.s32 $0x88, s3;
	s6 =	simm.s32 @!p1 $0x1082;
	[sflag:s4] =	ssyncset.s32 $0xFFFFF086  }
0x25: {  	[simem:s6], [sflag:s4] =	dma.local [hbm:s3], $0xF7A  }
0x26: {  	[smem:$0x3F9D] =	sst s1;
	(tag) =	ssettag s2;
	_ =	strace s9  }
0x27: {  	s1 =	sld [smem:$0x3FAD]  }
0x28: {  	s2 =	sld [smem:$0x3FAE]  }
0x29: {  	s4 =	sld [smem:$0x3FB0]  }
0x2a: {  	p0 =	seq.s32 s5, $0x0;
	s5 =	sld [smem:$0x3FB1]  }
0x2b: {  	s6 =	sld [smem:$0x3FB2]  }
0x2c: {  	s7 =	sld [smem:$0x3FB3]  }
0x2d: {  	s3 =	simm.s32 $0x108;
	s8 =	sld [smem:$0x3FB4]  }
0x2e: {  	s3 =	simm.s32 @!p0 $0x1082;
	s9 =	sld [smem:$0x3FB5]  }
0x2f: {  	lr =	sadd.s32 s0, s3;
	s0 =	sld [smem:$0x3FAC]  }
0x30: {  	s3 =	sld [smem:$0x3FAF]  }
0x31: {  	[smem:$0x3FB8] =	sst s10  }
0x32: {  	s10 =	sld [smem:$0x3FB6];
	_ =	sdelay $0x3  }
0x33: {  	p0 =	seq.s32 s10, $0x1;
	s10 =	sld [smem:$0x3FB8];
	_ =	sdelay $0x3  }
0x34: {  	[smem:$0x3FB8] =	sst s10  }
0x35: {  	s10 =	sld [smem:$0x3FB7];
	_ =	sdelay $0x3  }
0x36: {  	p1 =	seq.s32 s10, $0x1;
	s10 =	sld [smem:$0x3FB8];
	_ =	sdelay $0x3  }
0x37: {  	[smem:$0x3FB8] =	sst s10  }
0x38: {  	s10 =	sld [smem:$0x3FB9]  }
0x39: {  	_ = 	snop;
	(pc) =	sbr.ind lr, $3  }
0x3a: {  	_ = 	snop  }
0x3b: {  	_ = 	snop  }
0x3c: {  	p2 =	seq.s32 s10, $0x1;
	s10 =	sld [smem:$0x3FB8]  }
0x3d: {  	_ =	shalt  }
0x3e: {  	_ =	shalt  }
0x3f: {  	_ =	shalt  }
0x40: {  	_ =	shalt  }
0x41: {  	_ =	shalt  }
0x42: {  	_ =	shalt  }
0x43: {  	_ =	shalt  }
0x44: {  	_ =	shalt  }
0x45: {  	_ =	shalt  }
0x46: {  	_ =	shalt  }
0x47: {  	_ =	shalt  }
0x48: {  	_ =	shalt  }
0x49: {  	_ =	shalt  }
0x4a: {  	_ =	shalt  }
0x4b: {  	_ =	shalt  }
0x4c: {  	_ =	shalt  }
0x4d: {  	_ =	shalt  }
0x4e: {  	_ =	shalt  }
0x4f: {  	_ =	shalt  }
0x50: {  	_ =	shalt  }
0x51: {  	_ =	shalt  }
0x52: {  	_ =	shalt  }
0x53: {  	_ =	shalt  }
0x54: {  	_ =	shalt  }
0x55: {  	_ =	shalt  }
0x56: {  	_ =	shalt  }
0x57: {  	_ =	shalt  }
0x58: {  	_ =	shalt  }
0x59: {  	_ =	shalt  }
0x5a: {  	_ =	shalt  }
0x5b: {  	_ =	shalt  }
0x5c: {  	_ =	shalt  }
0x5d: {  	_ =	shalt  }
0x5e: {  	_ =	shalt  }
0x5f: {  	_ =	shalt  }
0x60: {  	_ =	shalt  }
0x61: {  	_ =	shalt  }
0x62: {  	_ =	shalt  }
0x63: {  	_ =	shalt  }
0x64: {  	_ =	shalt  }
0x65: {  	_ =	shalt  }
0x66: {  	_ =	shalt  }
0x67: {  	_ =	shalt  }
0x68: {  	_ =	shalt  }
0x69: {  	_ =	shalt  }
0x6a: {  	_ =	shalt  }
0x6b: {  	_ =	shalt  }
0x6c: {  	_ =	shalt  }
0x6d: {  	_ =	shalt  }
0x6e: {  	_ =	shalt  }
0x6f: {  	_ =	shalt  }
0x70: {  	_ =	shalt  }
0x71: {  	_ =	shalt  }
0x72: {  	_ =	shalt  }
0x73: {  	_ =	shalt  }
0x74: {  	_ =	shalt  }
0x75: {  	_ =	shalt  }
0x76: {  	_ =	shalt  }
0x77: {  	_ =	shalt  }
0x78: {  	_ =	shalt  }
0x79: {  	_ =	shalt  }
0x7a: {  	_ =	shalt  }
0x7b: {  	_ =	shalt  }
0x7c: {  	_ =	shalt  }
0x7d: {  	_ =	shalt  }
0x7e: {  	_ =	shalt  }
0x7f: {  	_ =	shalt  }
0x80: {  	_ =	shalt  }
0x81: {  	_ =	shalt  }
0x82: {  	_ =	shalt  }
0x83: {  	_ =	shalt  }
0x84: {  	_ =	shalt  }
0x85: {  	_ =	shalt  }
0x86: {  	_ =	shalt  }
0x87: {  	_ =	shalt  }
.Lfunc_end0:
.L_simem_size_0:
called_computation.1_lowered:
.L_overlay_start_0:
0x88: {  	s2 =	sld [smem:$0x3FD9]  }
0x89: {  	s3 =	sld [smem:$0x3FFE];
	_ =	sdelay $0x1  }
0x8a: {  	s1 =	srdreg.scid  }
0x8b: {  	s0 =	sand.u32 $0x1, s1  }
0x8c: {  	s16 =	sshll.u32 s0, $0xA;
	s2 =	sadd.s32 s3, s2  }
0x8d: {  	s2 =	sadd.s32 s2, s16  }
0x8e: {  	[smem:$0x3FC4] =	sst s2  }
0x8f: {  	_ = 	snop  }
0x90: {  	(tm) =	ssettm $0x1  }
0x91: {  	s17 =	sld [smem:$0x3FFB];
	_ =	sdelay $0x3  }
0x92: {  	_ =	strace s17  }
0x93: {  	s2 =	sld [smem:$0x3FFC];
	_ =	sdelay $0x3  }
0x94: {  	_ =	strace s2  }
0x95: {  	s2 =	sld [smem:$0x3FFD];
	_ =	sdelay $0x3  }
0x96: {  	_ =	strace s2  }
0x97: {  	_ =	strace $0x8FFFFFFF  }
0x98: {  	s18 =	sld [smem:$0x3FDB];
	_ =	sdelay $0x1  }
0x99: {  	s19 =	simm.s32 $_scs_section_size  }
0x9a: {  	s4 =	simm.s32 $_size__tile_overlayer_lowered;
	s5 =	simm.s32 $_tile_overlayer_lowered  }
0x9b: {  	s22 =	simm.s32 $0x1BFF;
	s21 =	sshll.u32 s5, $0x1;
	s2 =	sadd.s32 s19, s18  }
0x9c: {  	s6 =	simm.s32 $0x0;
	s20 =	sshll.u32 s4, $0x1;
	s4 =	sadd.s32 s21, s2  }
0x9d: {  	[timem:s6], [sflag:s22] =	dma.local [hbm:s4], s20  }
0x9e: {  	_ =	swait.ge [sflag:s22], s20  }
0x9f: {  	s3 =	ssub.s32 $0x0, s20;
	[sflag:s22] =	ssyncset.done $0x0  }
0xa0: {  	[sflag:s22] =	ssyncadd.s32 s3;
	_ =	sdelay $0x1  }
0xa1: {  	s23 =	simm.s32 $0x1B8B  }
0xa2: {  	_ =	swait.ge [sflag:s23], $0x1  }
0xa3: {  	[sflag:s23] =	ssyncset.done $0x0  }
0xa4: {  	s25 =	simm.s32 $0x1B8E;
	s24 =	sld [smem:$0x3FFE];
	[sflag:s23] =	ssyncadd.s32 $0xFFFFFFFF  }
0xa5: {  	s26 =	simm.s32 $execute0_lowered;
	[smem:$0x3FD2] =	sst s25  }
0xa6: {  	s4 =	sshll.u32 s26, $0x1;
	_ =	strace $0x80000049;
	[dreg:$0x1] =	wrdreg $0xFFFFFFFF  }
0xa7: {  	s28 =	simm.s32 $_size_execute0_lowered;
	s2 =	sadd.s32 s2, s4;
	[dreg:$0x0] =	wrdreg $0x0  }
0xa8: {  	s4 =	sshll.u32 s28, $0x1;
	[dreg:$0x2] =	wrdreg s2  }
0xa9: {  	[dreg:$0x3] =	wrdreg s4  }
0xaa: {  	[dreg:$0x4] =	wrdreg $0xC0  }
0xab: {  	_ =	task [dreg:s6], $0x5FFFF  }
0xac: {  	[dreg:$0x1] =	wrdreg $0xFFFFFFFF  }
0xad: {  	[dreg:$0x0] =	wrdreg $0x60  }
0xae: {  	[dreg:$0x2] =	wrdreg s24  }
0xaf: {  	[dreg:$0x3] =	wrdreg $0x0  }
0xb0: {  	[dreg:$0x4] =	wrdreg $0x9  }
0xb1: {  	_ =	task.clear_ibuf [dreg:s6], $0x5FFFF;
	_ =	strace $0x90000049  }
0xb2: {  	s29 =	simm.s32 $0x9;
	_ =	strace $0x8000004B  }
0xb3: {  	_ =	swait.ge [sflag:s29], $0x1  }
0xb4: {  	[sflag:s29] =	ssyncadd.s32 $0xFFFFFFFF  }
0xb5: {  	_ =	strace $0x9000004B  }
0xb6: {  	_ =	sfence  }
0xb7: {  	s30 =	sld [smem:$0x0];
	_ =	sdelay $0x2  }
0xb8: {  	s31 =	sshll.u32 s1, $0xD;
	s1 =	sshrl.u32 s1, $0x2  }
0xb9: {  	s3 =	sand.u32 $0x4000, s31;
	s1 =	sadd.s32 s1, s30  }
0xba: {  	s0 =	sor.u32 s3, s0;
	s1 =	sshll.u32 s1, $0x11  }
0xbb: {  	s0 =	sor.u32 s1, s0  }
0xbc: {  	s0 =	sadd.s32 $0x8F2B, s0  }
0xbd: {  	[sflag:s0] =	ssyncadd.remote.s32 $0x1  }
0xbe: {  	_ =	sfence.sel $0xFFFF  }
0xbf: {  	[dreg:$0x0] =	wrdreg $0xFFFFFFFF;
	(pc) =	sbr.abs _section_cstart, $3  }
0xc0: {  	[dreg:$0x1] =	wrdreg $0xFFFFFFFF  }
0xc1: {  	_ =	task.clear_ibuf [dreg:s6], $0x2FFFF;
	_ =	strace $0x9FFFFFFF  }
0xc2: {  	(tm) =	ssettm $0x7FFFFFFF  }
0xc3: {  	_ =	shalt  }
tec
execute0_lowered:
.L_overlay_start_1:
0x0: {  	(tag) =	ssettag $0x1  }
0x1: {  	s5 =	rddreg [dreg:$0x0];
	s1 =	srdreg.scid  }
0x2: {  	s0 =	stileid.u32;
	s2 =	rddreg [dreg:$0x1];
	s15 =	simm.s32 $0x1B380  }
0x3: {  	s16 =	simm.s32 $0x3;
	s17 =	simm.s32 $0x13C00;
	s18 =	simm.s32 $0x16400  }
0x4: {  	s19 =	simm.s32 $0x80;
	s20 =	simm.s32 $0x400;
	s21 =	simm.s32 $0x18C00  }
0x5: {  	s22 =	simm.s32 $0x1;
	s23 =	simm.s32 $0x2;
	s26 =	smul.u32 $0x13C00, s0  }
0x6: {  	s6 =	sand.u32 $0x1, s1;
	s8 =	sshrl.u32 s0, $0x2;
	s29 =	smul.u32 $0x4F000, s0  }
0x7: {  	s3 =	sshll.u32 s0, $0x1;
	s1 =	rddreg [dreg:$0x2];
	s8 =	smul.u32 $0x13C00, s8  }
0x8: {  	s4 =	sor.u32 s6, s3;
	s3 =	simm.s32 $0x0;
	s10 =	smul.u32 $0x13C000, s6  }
0x9: {  	s6 =	ssub.s32 $0x2, s6;
	s7 =	smul.u32 $0x500, s4;
	[smem:$0x7FF] =	sst s3  }
0xa: {  	s4 =	sshll.u32 s4, $0x7;
	s31 =	sshrl.u32 s6, $0x1;
	_ =	strace $0x8000004A  }
0xb: {  	s9 =	sand.u32 $0x380, s4;
	s4 =	sadd.s32 $0x47400, s5;
	s30 =	sadd.s32 s26, s10  }
0xc: {  	s14 =	ssub.s32 s6, s31;
	s8 =	sor.u32 s8, s9;
	s11 =	sadd.s32 s7, s5  }
0xd: {  	s7 =	sshrl.u32 s30, $0x3;
	s14 =	smax.u32 s14, $0x1;
	s28 =	sshrl.u32 s8, $0x3  }
0xe: {  	s8 =	sshrl.u32 s29, $0x2;
	s13 =	sadd.s32 s7, s5;
	s10 =	sadd.s32 $0xBE00, s11  }
0xf: {  	s11 =	sadd.s32 $0x1E00, s11;
	s12 =	sadd.s32 s28, s5;
	s5 =	sadd.s32 s8, s2  }
0x10: {  	s13 =	sadd.s32 $0x6EC00, s13;
	s6 =	sadd.s32 $0x4000, s5;
	s7 =	sadd.s32 $0x8000, s5  }
0x11: {  	v0 =	vimm.f32 $0.0e+00;
	s8 =	sadd.s32 $0xC000, s5;
	s9 =	sadd.s32 $0x10000, s5;
	s12 =	sadd.s32 $0x3D600, s12  }
.LBB2_1:
0x12: {  	s24 =	simm.s32 $0x0;
	s25 =	simm.s32 $0x200  }
.LBB2_2:
0x13: {  	p0 =	sne.s32 s25, $0xFE00;
	[tilespmem:s24+$0x1B3F0] =	vst v0  }
0x14: {  	[tilespmem:s24+$0x1B380] =	vst v0  }
0x15: {  	[tilespmem:s24+$0x1B390] =	vst v0  }
.Ltmp0:
0x16: {  	[tilespmem:s24+$0x1B3A0] =	vst v0;
	(pc) =	sbr.rel @p0 .LBB2_2-.Ltmp0, $4  }
0x17: {  	[tilespmem:s24+$0x1B3B0] =	vst v0  }
0x18: {  	[tilespmem:s24+$0x1B3C0] =	vst v0  }
0x19: {  	[tilespmem:s24+$0x1B3D0] =	vst v0  }
0x1a: {  	[tilespmem:s24+$0x1B3E0] =	vst v0;
	s24 =	sshra.s32 s25, $0x2;
	s25 =	sadd.s32 $0x200, s25  }
0x1b: {  	[tilespmem:s24+$0x1B3F0] =	vst v0  }
0x1c: {  	[tilespmem:s24+$0x1B380] =	vst v0  }
0x1d: {  	[tilespmem:s24+$0x1B390] =	vst v0  }
0x1e: {  	[tilespmem:s24+$0x1B3A0] =	vst v0  }
0x1f: {  	[tilespmem:s24+$0x1B3B0] =	vst v0  }
0x20: {  	[tilespmem:s24+$0x1B3C0] =	vst v0  }
0x21: {  	[tilespmem:s24+$0x1B3D0] =	vst v0  }
0x22: {  	[tilespmem:s24+$0x1B3E0] =	vst v0  }
0x23: {  	[spmem:s5] =	stream.linear.scatter [tilespmem:s15], [sflag:$0x3], $0x4000, $0x38;
	[tilespmem:$0x1F380] =	vst v63  }
0x24: {  	_ =	swait.ge [sflag:s16], $0x4000  }
0x25: {  	[sflag:s16] =	ssyncset.done $0x0  }
0x26: {  	[sflag:s16] =	ssyncadd.s32 $0xFFFFC000  }
0x27: {  	[spmem:s6] =	stream.linear.scatter [tilespmem:s15], [sflag:$0x3], $0x4000, $0x38;
	[tilespmem:$0x1F380] =	vst v63  }
0x28: {  	_ =	swait.ge [sflag:s16], $0x4000  }
0x29: {  	[sflag:s16] =	ssyncset.done $0x0  }
0x2a: {  	[sflag:s16] =	ssyncadd.s32 $0xFFFFC000  }
0x2b: {  	[spmem:s7] =	stream.linear.scatter [tilespmem:s15], [sflag:$0x3], $0x4000, $0x38;
	[tilespmem:$0x1F380] =	vst v63  }
0x2c: {  	_ =	swait.ge [sflag:s16], $0x4000  }
0x2d: {  	[sflag:s16] =	ssyncset.done $0x0  }
0x2e: {  	[sflag:s16] =	ssyncadd.s32 $0xFFFFC000  }
0x2f: {  	[spmem:s8] =	stream.linear.scatter [tilespmem:s15], [sflag:$0x3], $0x4000, $0x38;
	[tilespmem:$0x1F380] =	vst v63  }
0x30: {  	_ =	swait.ge [sflag:s16], $0x4000  }
0x31: {  	[sflag:s16] =	ssyncset.done $0x0  }
0x32: {  	[sflag:s16] =	ssyncadd.s32 $0xFFFFC000  }
0x33: {  	[spmem:s9] =	stream.linear.scatter [tilespmem:s15], [sflag:$0x3], $0x3C00, $0x38;
	[tilespmem:$0x1F380] =	vst v63  }
0x34: {  	_ =	swait.ge [sflag:s16], $0x3C00  }
0x35: {  	[sflag:s16] =	ssyncset.done $0x0  }
0x36: {  	[sflag:s16] =	ssyncadd.s32 $0xFFFFC400  }
0x37: {  	s24 =	simm.s32 $0x0;
	[bflag:$0x0] =	sbarrier.arrive $0xFFFF  }
0x38: {  	[tilespmem:s17], [sflag:$0x3] =	stream.linear.gather [hbm4b:s10+s24], $0x2780, $0x38;
	[tilespmem:$0x1F380] =	vst v63  }
0x39: {  	_ =	swait.ge [sflag:s16], $0x2780  }
0x3a: {  	[sflag:s16] =	ssyncset.done $0x0  }
0x3b: {  	[sflag:s16] =	ssyncadd.s32 $0xFFFFD880  }
0x3c: {  	[tilespmem:s18], [sflag:$0x3] =	stream.linear.gather [hbm4b:s11+s24], $0x2780, $0x38;
	[tilespmem:$0x1F380] =	vst v63  }
0x3d: {  	_ =	swait.ge [sflag:s16], $0x2780  }
0x3e: {  	[sflag:s16] =	ssyncset.done $0x0  }
0x3f: {  	[sflag:s16] =	ssyncadd.s32 $0xFFFFD880  }
0x40: {  	[tilespmem:s21], [sflag:$0x3] =	stream.strided.gather [hbm4b:s12+s19], $0x2780, s20, s19, $0x38;
	[tilespmem:$0x1F380] =	vst v63  }
0x41: {  	_ =	swait.ge [sflag:s16], $0x2780  }
0x42: {  	[sflag:s16] =	ssyncset.done $0x0  }
0x43: {  	[sflag:s16] =	ssyncadd.s32 $0xFFFFD880  }
.LBB2_4:
0x44: {  	s25 =	sshll.u32 s24, $0x7  }
0x45: {  	s26 =	sadd.s32 $0x13C00, s25  }
0x46: {  	v1 =	vmov s25;
	[tilespmem:s15], [sflag:$0x1] =	stream.indirect.gather [hbm4b:s4+s19], $0x80, s26, s19, $0xb8;
	[tilespmem:$0x1F380] =	vst v63  }
0x47: {  	_ =	swait.ge [sflag:s22], $0x4000  }
0x48: {  	[sflag:s22] =	ssyncset.done $0x0  }
0x49: {  	s26 =	simm.s32 $0x1B400;
	[sflag:s22] =	ssyncadd.s32 $0xFFFFC000  }
0x4a: {  	v3 =	vld [tilespmem:s26+$0xFFFFFFF0]  }
0x4b: {  	v6 =	vld.idx.msk [tilespmem:v1+s21+$0x0], $0xffff  }
0x4c: {  	v7 =	vld [tilespmem:s26+$0xFFFFFF80]  }
0x4d: {  	v8 =	vld [tilespmem:s26+$0xFFFFFFA0]  }
0x4e: {  	v5 =	vld [tilespmem:s26+$0xFFFFFFB0]  }
0x4f: {  	v4 =	vld [tilespmem:s26+$0xFFFFFFD0]  }
0x50: {  	v9 =	vld [tilespmem:s26+$0xFFFFFFE0];
	v12 =	vmul.f32 v3, v6  }
0x51: {  	v10 =	vld [tilespmem:s26+$0xFFFFFF90];
	v7 =	vmul.f32 v7, v6  }
0x52: {  	v11 =	vld [tilespmem:s26+$0xFFFFFFC0];
	v8 =	vmul.f32 v8, v6;
	[tilespmem:s26+$0xFFFFFFF0] =	vst v12  }
0x53: {  	v5 =	vmul.f32 v5, v6;
	[tilespmem:s26+$0xFFFFFF80] =	vst v7  }
0x54: {  	v4 =	vmul.f32 v4, v6;
	[tilespmem:s26+$0xFFFFFFA0] =	vst v8  }
0x55: {  	v7 =	vmul.f32 v9, v6;
	[tilespmem:s26+$0xFFFFFFB0] =	vst v5;
	v8 =	vor.u32 $0x1, v1  }
0x56: {  	v2 =	vld [tilespmem:s26+$0x0];
	v5 =	vmul.f32 v10, v6;
	[tilespmem:s26+$0xFFFFFFD0] =	vst v4  }
0x57: {  	v3 =	vld [tilespmem:s26+$0x10];
	v4 =	vmul.f32 v11, v6;
	[tilespmem:s26+$0xFFFFFFE0] =	vst v7  }
0x58: {  	v6 =	vld [tilespmem:s26+$0x20];
	[tilespmem:s26+$0xFFFFFF90] =	vst v5  }
0x59: {  	[tilespmem:s26+$0xFFFFFFC0] =	vst v4;
	v5 =	vld [tilespmem:s26+$0x70]  }
0x5a: {  	s28 =	simm.s32 $0x0;
	s29 =	simm.s32 $0x1B400;
	v4 =	vld.idx.msk [tilespmem:v8+s21+$0x0], $0xffff  }
.LBB2_5:
0x5b: {  	s28 =	sadd.s32 $0x2, s28;
	v7 =	vld [tilespmem:s26+$0x50];
	v1 =	vadd.s32 $0x2, v1;
	s29 =	sadd.s32 $0x100, s29  }
0x5c: {  	p0 =	slt.u32 s28, $0x7E;
	v8 =	vld [tilespmem:s26+$0x30]  }
0x5d: {  	v9 =	vld [tilespmem:s26+$0x40]  }
0x5e: {  	v10 =	vld [tilespmem:s26+$0x60];
	_ =	sdelay $0x1  }
0x5f: {  	v2 =	vmul.f32 v2, v4;
	v3 =	vmul.f32 v3, v4  }
0x60: {  	v6 =	vmul.f32 v6, v4;
	v8 =	vmul.f32 v8, v4  }
0x61: {  	v7 =	vmul.f32 v7, v4;
	[tilespmem:s26+$0x0] =	vst v2;
	v9 =	vmul.f32 v9, v4  }
0x62: {  	v2 =	vld [tilespmem:s29+$0x0];
	[tilespmem:s26+$0x20] =	vst v6;
	v6 =	vmul.f32 v10, v4;
	v4 =	vmul.f32 v5, v4  }
0x63: {  	[tilespmem:s26+$0x10] =	vst v3  }
0x64: {  	[tilespmem:s26+$0x30] =	vst v8  }
0x65: {  	v5 =	vld [tilespmem:s29+$0xFFFFFFD0];
	[tilespmem:s26+$0x70] =	vst v4  }
0x66: {  	v4 =	vld [tilespmem:s29+$0xFFFFFFB0];
	[tilespmem:s26+$0x50] =	vst v7  }
0x67: {  	v7 =	vld [tilespmem:s29+$0xFFFFFFE0];
	[tilespmem:s26+$0x60] =	vst v6  }
0x68: {  	v6 =	vld [tilespmem:s29+$0xFFFFFFF0];
	[tilespmem:s26+$0x40] =	vst v9;
	s26 =	smov.u32 s29  }
0x69: {  	v8 =	vld.idx.msk [tilespmem:v1+s21+$0x0], $0xffff  }
0x6a: {  	v9 =	vld [tilespmem:s29+$0xFFFFFF80]  }
0x6b: {  	v10 =	vld [tilespmem:s29+$0xFFFFFFA0]  }
0x6c: {  	v11 =	vld [tilespmem:s29+$0xFFFFFF90]  }
0x6d: {  	v12 =	vld [tilespmem:s29+$0xFFFFFFC0]  }
0x6e: {  	v3 =	vld [tilespmem:s29+$0x10]  }
0x6f: {  	v6 =	vmul.f32 v6, v8;
	v9 =	vmul.f32 v9, v8  }
0x70: {  	v7 =	vmul.f32 v7, v8;
	v10 =	vmul.f32 v10, v8  }
0x71: {  	v4 =	vmul.f32 v4, v8;
	v11 =	vmul.f32 v11, v8;
	[tilespmem:s29+$0xFFFFFFF0] =	vst v6  }
0x72: {  	v5 =	vmul.f32 v5, v8;
	[tilespmem:s29+$0xFFFFFF80] =	vst v9;
	v9 =	vmul.f32 v12, v8  }
0x73: {  	[tilespmem:s29+$0xFFFFFFA0] =	vst v10  }
0x74: {  	[tilespmem:s29+$0xFFFFFFB0] =	vst v4;
	v4 =	vor.u32 $0x1, v1  }
.Ltmp1:
0x75: {  	[tilespmem:s29+$0xFFFFFFD0] =	vst v5;
	(pc) =	sbr.rel @p0 .LBB2_5-.Ltmp1, $4  }
0x76: {  	[tilespmem:s29+$0xFFFFFFE0] =	vst v7  }
0x77: {  	[tilespmem:s29+$0xFFFFFF90] =	vst v11;
	v6 =	vld [tilespmem:s29+$0x20]  }
0x78: {  	[tilespmem:s29+$0xFFFFFFC0] =	vst v9;
	v5 =	vld [tilespmem:s29+$0x70]  }
0x79: {  	v4 =	vld.idx.msk [tilespmem:v4+s21+$0x0], $0xffff  }
0x7a: {  	_ =	sdelay $0x1  }
0x7b: {  	v1 =	vld [tilespmem:s26+$0x30];
	_ =	sdelay $0x1  }
0x7c: {  	v7 =	vld [tilespmem:s26+$0x50];
	v2 =	vmul.f32 v2, v4  }
0x7d: {  	v8 =	vld [tilespmem:s26+$0x60];
	v6 =	vmul.f32 v6, v4  }
0x7e: {  	v9 =	vld [tilespmem:s26+$0x40];
	v3 =	vmul.f32 v3, v4;
	[tilespmem:s26+$0x0] =	vst v2  }
0x7f: {  	v1 =	vmul.f32 v1, v4;
	[tilespmem:s26+$0x20] =	vst v6  }
0x80: {  	v2 =	vmul.f32 v5, v4;
	[tilespmem:s26+$0x10] =	vst v3  }
0x81: {  	v3 =	vmul.f32 v7, v4;
	[tilespmem:s26+$0x30] =	vst v1  }
0x82: {  	v1 =	vmul.f32 v8, v4;
	[tilespmem:s26+$0x70] =	vst v2  }
0x83: {  	s24 =	sadd.s32 $0x1, s24;
	v2 =	vmul.f32 v9, v4;
	[tilespmem:s26+$0x50] =	vst v3  }
0x84: {  	p0 =	sne.s32 s24, $0x4F;
	[tilespmem:s26+$0x60] =	vst v1  }
.Ltmp2:
0x85: {  	s25 =	sadd.s32 $0x16400, s25;
	[tilespmem:s26+$0x40] =	vst v2;
	(pc) =	sbr.rel @p0 .LBB2_4-.Ltmp2, $4  }
0x86: {  	[spmem:s2] =	stream.indirect.scatter.add.f32 [tilespmem:s15], [sflag:$0x2], $0x80, s25, s19, $0xb8;
	[tilespmem:$0x1F380] =	vst v63  }
0x87: {  	_ =	swait.ge [sflag:s23], $0x4000  }
0x88: {  	[sflag:s23] =	ssyncset.done $0x0  }
0x89: {  	[sflag:s23] =	ssyncadd.s32 $0xFFFFC000  }
0x8a: {  	s3 =	sadd.s32 $0x1, s3  }
0x8b: {  	s24 =	sshll.u32 s0, $0x6;
	[bflag:$0x0] =	sbarrier.arrive $0xFFFF;
	p0 =	sne.s32 s3, s14  }
.Ltmp3:
0x8c: {  	s25 =	sshrl.u32 s5, $0x3;
	s24 =	sor.u32 $0x1C03, s24;
	(pc) =	sbr.rel @p0 .LBB2_1-.Ltmp3, $4  }
0x8d: {  	[hbm:s13], [sflag:s24] =	dma.local [spmem:s25], $0x2780  }
0x8e: {  	_ =	swait.ge [sflag:s16], $0x2780  }
0x8f: {  	[sflag:s16] =	ssyncset.done $0x0  }
0x90: {  	[sflag:s16] =	ssyncadd.s32 $0xFFFFD880  }
0x91: {  	_ =	sfence.sel $0x180000  }
0x92: {  	[bflag:$0x0] =	sbarrier.arrive $0xFFFF  }
0x93: {  	p0 =	sne.s32 s0, $0x0;
	_ =	strace $0x9000004A  }
0x94: {  	s0 =	sadd.s32 @!p0 $0x100000, s1;
	[bflag:$0x2] =	sbarrier.arrive $0xFFFF  }
0x95: {  	[sflag:s0] =	ssyncadd.tile.s32 @!p0 $0x1;
	_ =	shalt  }
.Lfunc_end2:
_tile_overlayer_lowered:
.L_overlay_start_2:
0x96: {  	(tag) =	ssettag $0x2  }
0x97: {  	s0 =	rddreg [dreg:$0x0];
	s2 =	stileid.u32  }
0x98: {  	s1 =	rddreg [dreg:$0x1];
	p0 =	sne.s32 s2, $0x0  }
0x99: {  	s3 =	rddreg [dreg:$0x2];
	[bflag:$0x3] =	sbarrier.arrive $0xFFFF;
	s2 =	simm.s32 @!p0 $0x1C03  }
0x9a: {  	[timem:s3], [sflag:s2] =	dma.local @!p0 [hbm:s0], s1  }
0x9b: {  	s0 =	simm.s32 @!p0 $0x3  }
0x9c: {  	_ =	swait.ge @!p0 [sflag:s0], s1  }
0x9d: {  	s1 =	ssub.s32 @!p0 $0x0, s1;
	[sflag:s0] =	ssyncset.done @!p0 $0x0  }
0x9e: {  	[sflag:s0] =	ssyncadd.s32 @!p0 s1  }
0x9f: {  	[bflag:$0x3] =	sbarrier.arrive $0xFFFF  }
0xa0: {  	_ =	shalt  }

// kernel: kernel.13.cloned.1.call-start
scs
__scs_entry_jumppad:
0x0: {  	(pc) =	sbr.rel $0x88, $3  }
0x1: {  	(tag) =	ssettag $0x0;
	lr =	simm.s32 $0x1  }
0x2: {  	[smem:$0x3F9D] =	sst lr;
	_ =	strace $0xD0000000  }
0x3: {  	_ = 	snop  }
0x4: {  	_ = 	snop  }
0x5: {  	_ = 	snop  }
0x6: {  	_ = 	snop  }
0x7: {  	_ = 	snop  }
__scs_overlays_trampoline_lowered:
0x8: {  	[smem:$0x3FAC] =	sst s0  }
0x9: {  	[smem:$0x3FAD] =	sst s1  }
0xa: {  	[smem:$0x3FAE] =	sst s2  }
0xb: {  	[smem:$0x3FAF] =	sst s3  }
0xc: {  	[smem:$0x3FB0] =	sst s4  }
0xd: {  	[smem:$0x3FB1] =	sst s5  }
0xe: {  	[smem:$0x3FB2] =	sst s6  }
0xf: {  	[smem:$0x3FB3] =	sst s7  }
0x10: {  	[smem:$0x3FB4] =	sst s8  }
0x11: {  	[smem:$0x3FB5] =	sst s9;
	s0 =	simm.s32 @!p0 $0x0  }
0x12: {  	s1 =	sld [smem:$0x3F9B];
	s0 =	simm.s32 @p0 $0x1  }
0x13: {  	[smem:$0x3FB6] =	sst s0;
	s0 =	simm.s32 @!p1 $0x0  }
0x14: {  	s2 =	sld [smem:$0x3F9A];
	s0 =	simm.s32 @p1 $0x1  }
0x15: {  	[smem:$0x3FB7] =	sst s0;
	s0 =	simm.s32 @!p2 $0x0  }
0x16: {  	s3 =	sld [smem:$0x3FDB];
	s0 =	simm.s32 @p2 $0x1  }
0x17: {  	s4 =	simm.s32 $0x1BF5;
	[smem:$0x3FB9] =	sst s0  }
0x18: {  	s0 =	sld [smem:$0x3F9C];
	_ =	swait.ge [sflag:s4], $0x0  }
0x19: {  	s7 =	sld [smem:$0x3F9D]  }
0x1a: {  	s8 =	sadd.s32 $0xFFFFE003, lr  }
0x1b: {  	s9 =	sadd.s32 $0xFFFFFEF7, lr;
	s5 =	simm.s32 $0xFFFFFFFF;
	p2 =	slt.u32 s8, $0xFFFFF086  }
0x1c: {  	p1 =	slt.u32 s9, $0xF7A;
	s5 =	simm.s32 @!p2 $0x0  }
0x1d: {  	s5 =	simm.s32 @p1 $0x1;
	p0 =	seq.s32 s7, s2  }
0x1e: {  	s7 =	smul.u32 @!p0 $0xF7A, s2;
	p2 =	seq.s32 @!p0 s5, $0x0  }
0x1f: {  	s9 =	smul.u32 $0xF7A, s1;
	s8 =	simm.s32 @!p0 $0x1BF5;
	p2 =	por !p2, p0  }
0x20: {  	[sflag:s8] =	ssyncset.s32 @!p0 $0xFFFFF086;
	s6 =	sadd.s32 @!p0 s3, s7;
	s7 =	simm.s32 @!p0 $0x108  }
0x21: {  	s3 =	sadd.s32 s3, s9;
	s6 =	sadd.s32 @!p0 $0x88, s6;
	s7 =	simm.s32 @p2 $0x1082  }
0x22: {  	[simem:s7], [sflag:s8] =	dma.local @!p0 [hbm:s6], $0xF7A  }
0x23: {  	s9 =	sor.u32 $0xD0000000, s2;
	s6 =	simm.s32 $0x108;
	_ =	swait.ge @!p0 [sflag:s8], $0x0  }
0x24: {  	s3 =	sadd.s32 $0x88, s3;
	s6 =	simm.s32 @!p1 $0x1082;
	[sflag:s4] =	ssyncset.s32 $0xFFFFF086  }
0x25: {  	[simem:s6], [sflag:s4] =	dma.local [hbm:s3], $0xF7A  }
0x26: {  	[smem:$0x3F9D] =	sst s1;
	(tag) =	ssettag s2;
	_ =	strace s9  }
0x27: {  	s1 =	sld [smem:$0x3FAD]  }
0x28: {  	s2 =	sld [smem:$0x3FAE]  }
0x29: {  	s4 =	sld [smem:$0x3FB0]  }
0x2a: {  	p0 =	seq.s32 s5, $0x0;
	s5 =	sld [smem:$0x3FB1]  }
0x2b: {  	s6 =	sld [smem:$0x3FB2]  }
0x2c: {  	s7 =	sld [smem:$0x3FB3]  }
0x2d: {  	s3 =	simm.s32 $0x108;
	s8 =	sld [smem:$0x3FB4]  }
0x2e: {  	s3 =	simm.s32 @!p0 $0x1082;
	s9 =	sld [smem:$0x3FB5]  }
0x2f: {  	lr =	sadd.s32 s0, s3;
	s0 =	sld [smem:$0x3FAC]  }
0x30: {  	s3 =	sld [smem:$0x3FAF]  }
0x31: {  	[smem:$0x3FB8] =	sst s10  }
0x32: {  	s10 =	sld [smem:$0x3FB6];
	_ =	sdelay $0x3  }
0x33: {  	p0 =	seq.s32 s10, $0x1;
	s10 =	sld [smem:$0x3FB8];
	_ =	sdelay $0x3  }
0x34: {  	[smem:$0x3FB8] =	sst s10  }
0x35: {  	s10 =	sld [smem:$0x3FB7];
	_ =	sdelay $0x3  }
0x36: {  	p1 =	seq.s32 s10, $0x1;
	s10 =	sld [smem:$0x3FB8];
	_ =	sdelay $0x3  }
0x37: {  	[smem:$0x3FB8] =	sst s10  }
0x38: {  	s10 =	sld [smem:$0x3FB9]  }
0x39: {  	_ = 	snop;
	(pc) =	sbr.ind lr, $3  }
0x3a: {  	_ = 	snop  }
0x3b: {  	_ = 	snop  }
0x3c: {  	p2 =	seq.s32 s10, $0x1;
	s10 =	sld [smem:$0x3FB8]  }
0x3d: {  	_ =	shalt  }
0x3e: {  	_ =	shalt  }
0x3f: {  	_ =	shalt  }
0x40: {  	_ =	shalt  }
0x41: {  	_ =	shalt  }
0x42: {  	_ =	shalt  }
0x43: {  	_ =	shalt  }
0x44: {  	_ =	shalt  }
0x45: {  	_ =	shalt  }
0x46: {  	_ =	shalt  }
0x47: {  	_ =	shalt  }
0x48: {  	_ =	shalt  }
0x49: {  	_ =	shalt  }
0x4a: {  	_ =	shalt  }
0x4b: {  	_ =	shalt  }
0x4c: {  	_ =	shalt  }
0x4d: {  	_ =	shalt  }
0x4e: {  	_ =	shalt  }
0x4f: {  	_ =	shalt  }
0x50: {  	_ =	shalt  }
0x51: {  	_ =	shalt  }
0x52: {  	_ =	shalt  }
0x53: {  	_ =	shalt  }
0x54: {  	_ =	shalt  }
0x55: {  	_ =	shalt  }
0x56: {  	_ =	shalt  }
0x57: {  	_ =	shalt  }
0x58: {  	_ =	shalt  }
0x59: {  	_ =	shalt  }
0x5a: {  	_ =	shalt  }
0x5b: {  	_ =	shalt  }
0x5c: {  	_ =	shalt  }
0x5d: {  	_ =	shalt  }
0x5e: {  	_ =	shalt  }
0x5f: {  	_ =	shalt  }
0x60: {  	_ =	shalt  }
0x61: {  	_ =	shalt  }
0x62: {  	_ =	shalt  }
0x63: {  	_ =	shalt  }
0x64: {  	_ =	shalt  }
0x65: {  	_ =	shalt  }
0x66: {  	_ =	shalt  }
0x67: {  	_ =	shalt  }
0x68: {  	_ =	shalt  }
0x69: {  	_ =	shalt  }
0x6a: {  	_ =	shalt  }
0x6b: {  	_ =	shalt  }
0x6c: {  	_ =	shalt  }
0x6d: {  	_ =	shalt  }
0x6e: {  	_ =	shalt  }
0x6f: {  	_ =	shalt  }
0x70: {  	_ =	shalt  }
0x71: {  	_ =	shalt  }
0x72: {  	_ =	shalt  }
0x73: {  	_ =	shalt  }
0x74: {  	_ =	shalt  }
0x75: {  	_ =	shalt  }
0x76: {  	_ =	shalt  }
0x77: {  	_ =	shalt  }
0x78: {  	_ =	shalt  }
0x79: {  	_ =	shalt  }
0x7a: {  	_ =	shalt  }
0x7b: {  	_ =	shalt  }
0x7c: {  	_ =	shalt  }
0x7d: {  	_ =	shalt  }
0x7e: {  	_ =	shalt  }
0x7f: {  	_ =	shalt  }
0x80: {  	_ =	shalt  }
0x81: {  	_ =	shalt  }
0x82: {  	_ =	shalt  }
0x83: {  	_ =	shalt  }
0x84: {  	_ =	shalt  }
0x85: {  	_ =	shalt  }
0x86: {  	_ =	shalt  }
0x87: {  	_ =	shalt  }
.Lfunc_end0:
.L_simem_size_0:
called_computation.2_lowered:
.L_overlay_start_0:
0x88: {  	s2 =	sld [smem:$0x3FD9]  }
0x89: {  	s3 =	sld [smem:$0x3FFE];
	_ =	sdelay $0x1  }
0x8a: {  	s1 =	srdreg.scid  }
0x8b: {  	s0 =	sand.u32 $0x1, s1  }
0x8c: {  	s17 =	sshll.u32 s0, $0xA;
	s2 =	sadd.s32 s3, s2  }
0x8d: {  	s2 =	sadd.s32 s2, s17  }
0x8e: {  	[smem:$0x3FC4] =	sst s2  }
0x8f: {  	_ = 	snop  }
0x90: {  	s2 =	sld [smem:$0x3FD0];
	(tm) =	ssettm $0x1  }
0x91: {  	s18 =	sld [smem:$0x3FFB];
	_ =	sdelay $0x3  }
0x92: {  	_ =	strace s18  }
0x93: {  	s3 =	sld [smem:$0x3FFC];
	_ =	sdelay $0x3  }
0x94: {  	_ =	strace s3  }
0x95: {  	s3 =	sld [smem:$0x3FFD];
	_ =	sdelay $0x3  }
0x96: {  	_ =	strace s3  }
0x97: {  	_ =	strace $0x8FFFFFFF  }
0x98: {  	s19 =	sld [smem:$0x3FDB];
	_ =	sdelay $0x1  }
0x99: {  	s4 =	simm.s32 $_scs_section_size  }
0x9a: {  	s5 =	simm.s32 $_size__tile_overlayer_lowered;
	s6 =	simm.s32 $_tile_overlayer_lowered  }
0x9b: {  	s22 =	simm.s32 $0x1BFF;
	s21 =	sshll.u32 s6, $0x1;
	s3 =	sadd.s32 s4, s19  }
0x9c: {  	s7 =	simm.s32 $0x0;
	s20 =	sshll.u32 s5, $0x1;
	s5 =	sadd.s32 s21, s3  }
0x9d: {  	[timem:s7], [sflag:s22] =	dma.local [hbm:s5], s20  }
0x9e: {  	_ =	swait.ge [sflag:s22], s20  }
0x9f: {  	s4 =	ssub.s32 $0x0, s20;
	[sflag:s22] =	ssyncset.done $0x0  }
0xa0: {  	[sflag:s22] =	ssyncadd.s32 s4;
	_ =	sdelay $0x1  }
0xa1: {  	s23 =	simm.s32 $0x1B8B  }
0xa2: {  	_ =	swait.ge [sflag:s23], $0x1  }
0xa3: {  	[sflag:s23] =	ssyncset.done $0x0  }
0xa4: {  	s25 =	simm.s32 $0x1B8E;
	s24 =	sld [smem:$0x3FFE];
	[sflag:s23] =	ssyncadd.s32 $0xFFFFFFFF  }
0xa5: {  	s26 =	simm.s32 $execute0_lowered;
	[smem:$0x3FD2] =	sst s25  }
0xa6: {  	s5 =	sshll.u32 s26, $0x1;
	_ =	strace $0x8000004C;
	[dreg:$0x1] =	wrdreg $0xFFFFFFFF  }
0xa7: {  	s28 =	simm.s32 $_size_execute0_lowered;
	s3 =	sadd.s32 s3, s5;
	[dreg:$0x0] =	wrdreg $0x0  }
0xa8: {  	s5 =	sshll.u32 s28, $0x1;
	[dreg:$0x2] =	wrdreg s3  }
0xa9: {  	[dreg:$0x3] =	wrdreg s5  }
0xaa: {  	[dreg:$0x4] =	wrdreg $0xC0  }
0xab: {  	_ =	task [dreg:s7], $0x5FFFF  }
0xac: {  	[dreg:$0x1] =	wrdreg $0xFFFFFFFF  }
0xad: {  	[dreg:$0x0] =	wrdreg $0x60  }
0xae: {  	[dreg:$0x2] =	wrdreg s24  }
0xaf: {  	[dreg:$0x3] =	wrdreg s2  }
0xb0: {  	[dreg:$0x4] =	wrdreg $0x9  }
0xb1: {  	_ =	task.clear_ibuf [dreg:s7], $0x5FFFF;
	_ =	strace $0x9000004C  }
0xb2: {  	s29 =	simm.s32 $0x9;
	_ =	strace $0x8000004E  }
0xb3: {  	_ =	swait.ge [sflag:s29], $0x1  }
0xb4: {  	[sflag:s29] =	ssyncadd.s32 $0xFFFFFFFF  }
0xb5: {  	_ =	strace $0x9000004E  }
0xb6: {  	_ =	sfence  }
0xb7: {  	s30 =	sld [smem:$0x0];
	_ =	sdelay $0x2  }
0xb8: {  	s31 =	sshll.u32 s1, $0xD;
	s1 =	sshrl.u32 s1, $0x2  }
0xb9: {  	s3 =	sand.u32 $0x4000, s31;
	s1 =	sadd.s32 s1, s30  }
0xba: {  	s0 =	sor.u32 s3, s0;
	s1 =	sshll.u32 s1, $0x11  }
0xbb: {  	s0 =	sor.u32 s1, s0  }
0xbc: {  	s0 =	sadd.s32 $0x8F2B, s0  }
0xbd: {  	[sflag:s0] =	ssyncadd.remote.s32 $0x1  }
0xbe: {  	_ =	sfence.sel $0xFFFF  }
0xbf: {  	[dreg:$0x0] =	wrdreg $0xFFFFFFFF;
	(pc) =	sbr.abs _section_cstart, $3  }
0xc0: {  	[dreg:$0x1] =	wrdreg $0xFFFFFFFF  }
0xc1: {  	_ =	task.clear_ibuf [dreg:s7], $0x2FFFF;
	_ =	strace $0x9FFFFFFF  }
0xc2: {  	(tm) =	ssettm $0x7FFFFFFF  }
0xc3: {  	_ =	shalt  }
tec
execute0_lowered:
.L_overlay_start_1:
0x0: {  	(tag) =	ssettag $0x1  }
0x1: {  	s4 =	rddreg [dreg:$0x0]  }
0x2: {  	s5 =	rddreg [dreg:$0x1]  }
0x3: {  	s0 =	rddreg [dreg:$0x2];
	s2 =	simm.s32 $0x0;
	s3 =	srdreg.scid  }
0x4: {  	s1 =	stileid.u32;
	s9 =	simm.s32 $0x1000;
	s10 =	simm.s32 $0x1  }
0x5: {  	s11 =	simm.s32 $0x3000;
	s12 =	simm.s32 $0x0;
	s3 =	sand.u32 $0x1, s3  }
0x6: {  	[smem:$0x7FF] =	sst s2;
	s6 =	sshll.u32 s1, $0xA;
	s7 =	sshll.u32 s3, $0x9  }
0x7: {  	s8 =	ssub.s32 $0x2, s3;
	_ =	strace $0x8000004D;
	s6 =	sor.u32 s7, s6  }
0x8: {  	s3 =	sadd.s32 $0x1E00, s4;
	s31 =	sshrl.u32 s8, $0x1;
	s4 =	sadd.s32 s6, s4  }
0x9: {  	s7 =	ssub.s32 s8, s31;
	s5 =	sadd.s32 s5, s6;
	s8 =	simm.s32 $0x40  }
0xa: {  	s4 =	sadd.s32 $0xBDC00, s4;
	s6 =	smax.u32 s7, $0x1;
	s7 =	simm.s32 $0x2  }
.LBB2_1:
0xb: {  	[tilespmem:s2], [sflag:$0x2] =	stream.linear.gather [hbm4b:s4+s2], $0x1000, $0x38;
	[tilespmem:$0x4000] =	vst v63  }
0xc: {  	_ =	swait.ge [sflag:s7], $0x1000  }
0xd: {  	[sflag:s7] =	ssyncset.done $0x0  }
0xe: {  	s13 =	simm.s32 $0x0;
	[sflag:s7] =	ssyncadd.s32 $0xFFFFF000  }
.LBB2_2:
0xf: {  	s14 =	sshll.u32 s13, $0x7  }
0x10: {  	[tilespmem:s9], [sflag:$0x1] =	stream.indirect.gather [hbm4b:s3+s8], $0x80, s14, s8, $0xb8;
	[tilespmem:$0x4000] =	vst v63  }
0x11: {  	_ =	swait.ge [sflag:s10], $0x2000  }
0x12: {  	[sflag:s10] =	ssyncset.done $0x0  }
0x13: {  	[sflag:s10] =	ssyncadd.s32 $0xFFFFE000  }
0x14: {  	v0 =	vld [tilespmem:s14+$0x0]  }
0x15: {  	s19 =	simm.s32 $0x1100;
	v1 =	vld [tilespmem:s14+$0x10]  }
0x16: {  	v3 =	vld [tilespmem:s19+$0xFFFFFF00]  }
0x17: {  	v2 =	vld [tilespmem:s14+$0x20]  }
0x18: {  	v4 =	vld [tilespmem:s14+$0x30]  }
0x19: {  	v6 =	vld [tilespmem:s19+$0xFFFFFF80]  }
0x1a: {  	v5 =	vimm.f32 $0.0e+00  }
0x1b: {  	v7 =	vadd.f32 v3, v5;
	v3 =	vld [tilespmem:s19+$0x0]  }
0x1c: {  	vm0 =	vne.s32 v0, $0x0;
	vm14 =	vne.s32 v1, $0x0;
	vm15 =	vne.s32 v2, $0x0  }
0x1d: {  	s18 =	simm.s32 $0x0;
	s17 =	sor.u32 $0x10, s14;
	vm1 =	vne.s32 v4, $0x0;
	v5 =	vld [tilespmem:s19+$0x80];
	v0 =	vmpcnt.ones.xlane vm0;
	v1 =	vmpcnt.ones.xlane vm14  }
0x1e: {  	s16 =	sor.u32 $0x20, s14;
	s15 =	sor.u32 $0x30, s14;
	s19 =	simm.s32 $0x1300;
	v2 =	vmpcnt.ones.xlane vm15;
	v4 =	vmpcnt.ones.xlane vm1;
	v6 =	vadd.f32 v6, v7  }
.LBB2_3:
0x1f: {  	v7 =	vld [tilespmem:s19+$0xFFFFFF00];
	s18 =	sadd.s32 $0x4, s18  }
0x20: {  	p0 =	slt.u32 s18, $0x3C;
	v3 =	vadd.f32 v3, v6  }
0x21: {  	v6 =	vld [tilespmem:s19+$0xFFFFFF80]  }
.Ltmp0:
0x22: {  	v5 =	vadd.f32 v5, v3;
	(pc) =	sbr.rel @p0 .LBB2_3-.Ltmp0, $4  }
0x23: {  	v3 =	vld [tilespmem:s19+$0x0]  }
0x24: {  	v7 =	vadd.f32 v7, v5  }
0x25: {  	v5 =	vld [tilespmem:s19+$0x80]  }
0x26: {  	s19 =	sadd.s32 $0x200, s19;
	v6 =	vadd.f32 v6, v7  }
0x27: {  	v0 =	vadd.s32 v0, v1  }
0x28: {  	v0 =	vadd.s32 v2, v0  }
0x29: {  	v0 =	vadd.s32 v4, v0  }
0x2a: {  	v0 =	vcvt.s32.f32 v0;
	_ =	sdelay $0x1  }
0x2b: {  	v0 =	vmax.f32 v0, $1.000000000e+00  }
0x2c: {  	(erf) = vrcp.f32 v0;
	_ =	sdelay $0x4  }
0x2d: {  	v0 =	vadd.f32 v3, v6;
	_ =	sdelay $0x2  }
0x2e: {  	v1 =	vadd.f32 v5, v0  }
0x2f: {  	v0 =	vpop (erf)  }
0x30: {  	v1 =	vmul.f32 v1, v0;
	_ =	sdelay $0x1  }
0x31: {  	s19 =	simm.s32 $0x1110;
	[tilespmem:s14+$0x3000] =	vst v1  }
0x32: {  	v1 =	vld [tilespmem:s19+$0xFFFFFF00];
	_ =	sdelay $0x2  }
0x33: {  	v3 =	vld [tilespmem:s19+$0xFFFFFF80]  }
0x34: {  	v2 =	vimm.f32 $0.0e+00  }
0x35: {  	v4 =	vadd.f32 v1, v2;
	v1 =	vld [tilespmem:s19+$0x0];
	_ =	sdelay $0x1  }
0x36: {  	v2 =	vld [tilespmem:s19+$0x80]  }
0x37: {  	s18 =	simm.s32 $0x0;
	s19 =	simm.s32 $0x1310;
	v3 =	vadd.f32 v3, v4  }
.LBB2_5:
0x38: {  	v4 =	vld [tilespmem:s19+$0xFFFFFF00];
	s18 =	sadd.s32 $0x4, s18  }
0x39: {  	p0 =	slt.u32 s18, $0x3C;
	v1 =	vadd.f32 v1, v3  }
0x3a: {  	v3 =	vld [tilespmem:s19+$0xFFFFFF80]  }
.Ltmp1:
0x3b: {  	v2 =	vadd.f32 v2, v1;
	(pc) =	sbr.rel @p0 .LBB2_5-.Ltmp1, $4  }
0x3c: {  	v1 =	vld [tilespmem:s19+$0x0]  }
0x3d: {  	v4 =	vadd.f32 v4, v2  }
0x3e: {  	v2 =	vld [tilespmem:s19+$0x80]  }
0x3f: {  	s19 =	sadd.s32 $0x200, s19;
	v3 =	vadd.f32 v3, v4  }
0x40: {  	_ = 	snop  }
0x41: {  	v1 =	vadd.f32 v1, v3;
	_ =	sdelay $0x1  }
0x42: {  	v1 =	vadd.f32 v2, v1;
	_ =	sdelay $0x1  }
0x43: {  	v1 =	vmul.f32 v1, v0;
	_ =	sdelay $0x1  }
0x44: {  	s18 =	simm.s32 $0x1120;
	[tilespmem:s17+$0x3000] =	vst v1  }
0x45: {  	v1 =	vld [tilespmem:s18+$0xFFFFFF00];
	_ =	sdelay $0x2  }
0x46: {  	v3 =	vld [tilespmem:s18+$0xFFFFFF80]  }
0x47: {  	v2 =	vimm.f32 $0.0e+00  }
0x48: {  	v4 =	vadd.f32 v1, v2;
	v1 =	vld [tilespmem:s18+$0x0];
	_ =	sdelay $0x1  }
0x49: {  	v2 =	vld [tilespmem:s18+$0x80]  }
0x4a: {  	s17 =	simm.s32 $0x0;
	s18 =	simm.s32 $0x1320;
	v3 =	vadd.f32 v3, v4  }
.LBB2_7:
0x4b: {  	v4 =	vld [tilespmem:s18+$0xFFFFFF00];
	s17 =	sadd.s32 $0x4, s17  }
0x4c: {  	p0 =	slt.u32 s17, $0x3C;
	v1 =	vadd.f32 v1, v3  }
0x4d: {  	v3 =	vld [tilespmem:s18+$0xFFFFFF80]  }
.Ltmp2:
0x4e: {  	v2 =	vadd.f32 v2, v1;
	(pc) =	sbr.rel @p0 .LBB2_7-.Ltmp2, $4  }
0x4f: {  	v1 =	vld [tilespmem:s18+$0x0]  }
0x50: {  	v4 =	vadd.f32 v4, v2  }
0x51: {  	v2 =	vld [tilespmem:s18+$0x80]  }
0x52: {  	s18 =	sadd.s32 $0x200, s18;
	v3 =	vadd.f32 v3, v4  }
0x53: {  	_ = 	snop  }
0x54: {  	v1 =	vadd.f32 v1, v3;
	_ =	sdelay $0x1  }
0x55: {  	v1 =	vadd.f32 v2, v1;
	_ =	sdelay $0x1  }
0x56: {  	v1 =	vmul.f32 v1, v0;
	_ =	sdelay $0x1  }
0x57: {  	s17 =	simm.s32 $0x1130;
	[tilespmem:s16+$0x3000] =	vst v1  }
0x58: {  	v1 =	vld [tilespmem:s17+$0xFFFFFF00];
	_ =	sdelay $0x2  }
0x59: {  	v3 =	vld [tilespmem:s17+$0xFFFFFF80]  }
0x5a: {  	v2 =	vimm.f32 $0.0e+00  }
0x5b: {  	v4 =	vadd.f32 v1, v2;
	v1 =	vld [tilespmem:s17+$0x0];
	_ =	sdelay $0x1  }
0x5c: {  	v2 =	vld [tilespmem:s17+$0x80]  }
0x5d: {  	s16 =	simm.s32 $0x0;
	s17 =	simm.s32 $0x1330;
	v3 =	vadd.f32 v3, v4  }
.LBB2_9:
0x5e: {  	v4 =	vld [tilespmem:s17+$0xFFFFFF00];
	s16 =	sadd.s32 $0x4, s16  }
0x5f: {  	p0 =	slt.u32 s16, $0x3C;
	v1 =	vadd.f32 v1, v3  }
0x60: {  	v3 =	vld [tilespmem:s17+$0xFFFFFF80]  }
.Ltmp3:
0x61: {  	v2 =	vadd.f32 v2, v1;
	(pc) =	sbr.rel @p0 .LBB2_9-.Ltmp3, $4  }
0x62: {  	v1 =	vld [tilespmem:s17+$0x0]  }
0x63: {  	v4 =	vadd.f32 v4, v2  }
0x64: {  	v2 =	vld [tilespmem:s17+$0x80]  }
0x65: {  	s17 =	sadd.s32 $0x200, s17;
	v3 =	vadd.f32 v3, v4  }
0x66: {  	_ = 	snop  }
0x67: {  	v1 =	vadd.f32 v1, v3;
	_ =	sdelay $0x1  }
0x68: {  	v1 =	vadd.f32 v2, v1;
	_ =	sdelay $0x1  }
0x69: {  	v1 =	vmul.f32 v1, v0;
	_ =	sdelay $0x1  }
0x6a: {  	s16 =	simm.s32 $0x1140;
	[tilespmem:s15+$0x3000] =	vst v1  }
0x6b: {  	v1 =	vld [tilespmem:s16+$0xFFFFFF00];
	_ =	sdelay $0x2  }
0x6c: {  	v3 =	vld [tilespmem:s16+$0xFFFFFF80]  }
0x6d: {  	v2 =	vimm.f32 $0.0e+00  }
0x6e: {  	v4 =	vadd.f32 v1, v2;
	v1 =	vld [tilespmem:s16+$0x0];
	_ =	sdelay $0x1  }
0x6f: {  	v2 =	vld [tilespmem:s16+$0x80]  }
0x70: {  	s15 =	simm.s32 $0x0;
	s16 =	simm.s32 $0x1340;
	v3 =	vadd.f32 v3, v4  }
.LBB2_11:
0x71: {  	v4 =	vld [tilespmem:s16+$0xFFFFFF00];
	s15 =	sadd.s32 $0x4, s15  }
0x72: {  	p0 =	slt.u32 s15, $0x3C;
	v1 =	vadd.f32 v1, v3  }
0x73: {  	v3 =	vld [tilespmem:s16+$0xFFFFFF80]  }
.Ltmp4:
0x74: {  	v2 =	vadd.f32 v2, v1;
	(pc) =	sbr.rel @p0 .LBB2_11-.Ltmp4, $4  }
0x75: {  	v1 =	vld [tilespmem:s16+$0x0]  }
0x76: {  	v4 =	vadd.f32 v4, v2  }
0x77: {  	v2 =	vld [tilespmem:s16+$0x80]  }
0x78: {  	s16 =	sadd.s32 $0x200, s16;
	v3 =	vadd.f32 v3, v4  }
0x79: {  	_ = 	snop  }
0x7a: {  	v1 =	vadd.f32 v1, v3;
	_ =	sdelay $0x1  }
0x7b: {  	v1 =	vadd.f32 v2, v1;
	_ =	sdelay $0x1  }
0x7c: {  	v1 =	vmul.f32 v1, v0;
	_ =	sdelay $0x1  }
0x7d: {  	s16 =	simm.s32 $0x1150;
	[tilespmem:s14+$0x3040] =	vst v1  }
0x7e: {  	v1 =	vld [tilespmem:s16+$0xFFFFFF00];
	_ =	sdelay $0x2  }
0x7f: {  	v3 =	vld [tilespmem:s16+$0xFFFFFF80]  }
0x80: {  	v2 =	vimm.f32 $0.0e+00  }
0x81: {  	v4 =	vadd.f32 v1, v2;
	v1 =	vld [tilespmem:s16+$0x0];
	_ =	sdelay $0x1  }
0x82: {  	v2 =	vld [tilespmem:s16+$0x80]  }
0x83: {  	s15 =	simm.s32 $0x0;
	s16 =	simm.s32 $0x1350;
	v3 =	vadd.f32 v3, v4  }
.LBB2_13:
0x84: {  	v4 =	vld [tilespmem:s16+$0xFFFFFF00];
	s15 =	sadd.s32 $0x4, s15  }
0x85: {  	p0 =	slt.u32 s15, $0x3C;
	v1 =	vadd.f32 v1, v3  }
0x86: {  	v3 =	vld [tilespmem:s16+$0xFFFFFF80]  }
.Ltmp5:
0x87: {  	v2 =	vadd.f32 v2, v1;
	(pc) =	sbr.rel @p0 .LBB2_13-.Ltmp5, $4  }
0x88: {  	v1 =	vld [tilespmem:s16+$0x0]  }
0x89: {  	v4 =	vadd.f32 v4, v2  }
0x8a: {  	v2 =	vld [tilespmem:s16+$0x80]  }
0x8b: {  	s16 =	sadd.s32 $0x200, s16;
	v3 =	vadd.f32 v3, v4  }
0x8c: {  	_ = 	snop  }
0x8d: {  	v1 =	vadd.f32 v1, v3;
	_ =	sdelay $0x1  }
0x8e: {  	v1 =	vadd.f32 v2, v1;
	_ =	sdelay $0x1  }
0x8f: {  	v1 =	vmul.f32 v1, v0;
	_ =	sdelay $0x1  }
0x90: {  	s16 =	simm.s32 $0x1160;
	[tilespmem:s14+$0x3050] =	vst v1  }
0x91: {  	v1 =	vld [tilespmem:s16+$0xFFFFFF00];
	_ =	sdelay $0x2  }
0x92: {  	v3 =	vld [tilespmem:s16+$0xFFFFFF80]  }
0x93: {  	v2 =	vimm.f32 $0.0e+00  }
0x94: {  	v4 =	vadd.f32 v1, v2;
	v1 =	vld [tilespmem:s16+$0x0];
	_ =	sdelay $0x1  }
0x95: {  	v2 =	vld [tilespmem:s16+$0x80]  }
0x96: {  	s15 =	simm.s32 $0x0;
	s16 =	simm.s32 $0x1360;
	v3 =	vadd.f32 v3, v4  }
.LBB2_15:
0x97: {  	v4 =	vld [tilespmem:s16+$0xFFFFFF00];
	s15 =	sadd.s32 $0x4, s15  }
0x98: {  	p0 =	slt.u32 s15, $0x3C;
	v1 =	vadd.f32 v1, v3  }
0x99: {  	v3 =	vld [tilespmem:s16+$0xFFFFFF80]  }
.Ltmp6:
0x9a: {  	v2 =	vadd.f32 v2, v1;
	(pc) =	sbr.rel @p0 .LBB2_15-.Ltmp6, $4  }
0x9b: {  	v1 =	vld [tilespmem:s16+$0x0]  }
0x9c: {  	v4 =	vadd.f32 v4, v2  }
0x9d: {  	v2 =	vld [tilespmem:s16+$0x80]  }
0x9e: {  	s16 =	sadd.s32 $0x200, s16;
	v3 =	vadd.f32 v3, v4  }
0x9f: {  	_ = 	snop  }
0xa0: {  	v1 =	vadd.f32 v1, v3;
	_ =	sdelay $0x1  }
0xa1: {  	v1 =	vadd.f32 v2, v1;
	_ =	sdelay $0x1  }
0xa2: {  	v1 =	vmul.f32 v1, v0;
	_ =	sdelay $0x1  }
0xa3: {  	s16 =	simm.s32 $0x1170;
	[tilespmem:s14+$0x3060] =	vst v1  }
0xa4: {  	v1 =	vld [tilespmem:s16+$0xFFFFFF00];
	_ =	sdelay $0x2  }
0xa5: {  	v3 =	vld [tilespmem:s16+$0xFFFFFF80]  }
0xa6: {  	v2 =	vimm.f32 $0.0e+00  }
0xa7: {  	v4 =	vadd.f32 v1, v2;
	v1 =	vld [tilespmem:s16+$0x0];
	_ =	sdelay $0x1  }
0xa8: {  	v2 =	vld [tilespmem:s16+$0x80]  }
0xa9: {  	s15 =	simm.s32 $0x0;
	s16 =	simm.s32 $0x1370;
	v3 =	vadd.f32 v3, v4  }
.LBB2_17:
0xaa: {  	v4 =	vld [tilespmem:s16+$0xFFFFFF00];
	s15 =	sadd.s32 $0x4, s15  }
0xab: {  	p0 =	slt.u32 s15, $0x3C;
	v1 =	vadd.f32 v1, v3  }
0xac: {  	v3 =	vld [tilespmem:s16+$0xFFFFFF80]  }
.Ltmp7:
0xad: {  	v2 =	vadd.f32 v2, v1;
	(pc) =	sbr.rel @p0 .LBB2_17-.Ltmp7, $4  }
0xae: {  	v1 =	vld [tilespmem:s16+$0x0]  }
0xaf: {  	v4 =	vadd.f32 v4, v2  }
0xb0: {  	v2 =	vld [tilespmem:s16+$0x80]  }
0xb1: {  	s16 =	sadd.s32 $0x200, s16;
	v3 =	vadd.f32 v3, v4  }
0xb2: {  	_ = 	snop  }
0xb3: {  	s13 =	sadd.s32 $0x1, s13;
	v1 =	vadd.f32 v1, v3  }
0xb4: {  	p0 =	sne.s32 s13, $0x20  }
.Ltmp8:
0xb5: {  	v1 =	vadd.f32 v2, v1;
	(pc) =	sbr.rel @p0 .LBB2_2-.Ltmp8, $3  }
0xb6: {  	_ = 	snop  }
0xb7: {  	v0 =	vmul.f32 v1, v0;
	_ =	sdelay $0x1  }
0xb8: {  	[tilespmem:s14+$0x3070] =	vst v0  }
0xb9: {  	s12 =	sadd.s32 $0x1, s12  }
0xba: {  	p0 =	sne.s32 s12, s6  }
.Ltmp9:
0xbb: {  	_ = 	snop;
	(pc) =	sbr.rel @p0 .LBB2_1-.Ltmp9, $4  }
0xbc: {  	[hbm4b:s5+s2] =	stream.linear.scatter [tilespmem:s11], [sflag:$0x2], $0x1000, $0x38;
	[tilespmem:$0x4000] =	vst v63  }
0xbd: {  	_ =	swait.ge [sflag:s7], $0x1000  }
0xbe: {  	[sflag:s7] =	ssyncset.done $0x0  }
0xbf: {  	[sflag:s7] =	ssyncadd.s32 $0xFFFFF000  }
0xc0: {  	_ =	sfence.sel $0x180000  }
0xc1: {  	[bflag:$0x0] =	sbarrier.arrive $0xFFFF  }
0xc2: {  	p0 =	sne.s32 s1, $0x0;
	_ =	strace $0x9000004D  }
0xc3: {  	s0 =	sadd.s32 @!p0 $0x100000, s0;
	[bflag:$0x2] =	sbarrier.arrive $0xFFFF  }
0xc4: {  	[sflag:s0] =	ssyncadd.tile.s32 @!p0 $0x1;
	_ =	shalt  }
.Lfunc_end2:
_tile_overlayer_lowered:
.L_overlay_start_2:
0xc5: {  	(tag) =	ssettag $0x2  }
0xc6: {  	s0 =	rddreg [dreg:$0x0];
	s2 =	stileid.u32  }
0xc7: {  	s1 =	rddreg [dreg:$0x1];
	p0 =	sne.s32 s2, $0x0  }
0xc8: {  	s3 =	rddreg [dreg:$0x2];
	[bflag:$0x3] =	sbarrier.arrive $0xFFFF;
	s2 =	simm.s32 @!p0 $0x1C02  }
0xc9: {  	[timem:s3], [sflag:s2] =	dma.local @!p0 [hbm:s0], s1  }
0xca: {  	s0 =	simm.s32 @!p0 $0x2  }
0xcb: {  	_ =	swait.ge @!p0 [sflag:s0], s1  }
0xcc: {  	s1 =	ssub.s32 @!p0 $0x0, s1;
	[sflag:s0] =	ssyncset.done @!p0 $0x0  }
0xcd: {  	[sflag:s0] =	ssyncadd.s32 @!p0 s1  }
0xce: {  	[bflag:$0x3] =	sbarrier.arrive $0xFFFF  }
0xcf: {  	_ =	shalt  }

// kernel: kernel.7.cloned.1.call-start
scs
__scs_entry_jumppad:
0x0: {  	(pc) =	sbr.rel $0x88, $3  }
0x1: {  	(tag) =	ssettag $0x0;
	lr =	simm.s32 $0x1  }
0x2: {  	[smem:$0x3F9D] =	sst lr;
	_ =	strace $0xD0000000  }
0x3: {  	_ = 	snop  }
0x4: {  	_ = 	snop  }
0x5: {  	_ = 	snop  }
0x6: {  	_ = 	snop  }
0x7: {  	_ = 	snop  }
__scs_overlays_trampoline_lowered:
0x8: {  	[smem:$0x3FAC] =	sst s0  }
0x9: {  	[smem:$0x3FAD] =	sst s1  }
0xa: {  	[smem:$0x3FAE] =	sst s2  }
0xb: {  	[smem:$0x3FAF] =	sst s3  }
0xc: {  	[smem:$0x3FB0] =	sst s4  }
0xd: {  	[smem:$0x3FB1] =	sst s5  }
0xe: {  	[smem:$0x3FB2] =	sst s6  }
0xf: {  	[smem:$0x3FB3] =	sst s7  }
0x10: {  	[smem:$0x3FB4] =	sst s8  }
0x11: {  	[smem:$0x3FB5] =	sst s9;
	s0 =	simm.s32 @!p0 $0x0  }
0x12: {  	s1 =	sld [smem:$0x3F9B];
	s0 =	simm.s32 @p0 $0x1  }
0x13: {  	[smem:$0x3FB6] =	sst s0;
	s0 =	simm.s32 @!p1 $0x0  }
0x14: {  	s2 =	sld [smem:$0x3F9A];
	s0 =	simm.s32 @p1 $0x1  }
0x15: {  	[smem:$0x3FB7] =	sst s0;
	s0 =	simm.s32 @!p2 $0x0  }
0x16: {  	s3 =	sld [smem:$0x3FDB];
	s0 =	simm.s32 @p2 $0x1  }
0x17: {  	s4 =	simm.s32 $0x1BF5;
	[smem:$0x3FB9] =	sst s0  }
0x18: {  	s0 =	sld [smem:$0x3F9C];
	_ =	swait.ge [sflag:s4], $0x0  }
0x19: {  	s7 =	sld [smem:$0x3F9D]  }
0x1a: {  	s8 =	sadd.s32 $0xFFFFE003, lr  }
0x1b: {  	s9 =	sadd.s32 $0xFFFFFEF7, lr;
	s5 =	simm.s32 $0xFFFFFFFF;
	p2 =	slt.u32 s8, $0xFFFFF086  }
0x1c: {  	p1 =	slt.u32 s9, $0xF7A;
	s5 =	simm.s32 @!p2 $0x0  }
0x1d: {  	s5 =	simm.s32 @p1 $0x1;
	p0 =	seq.s32 s7, s2  }
0x1e: {  	s7 =	smul.u32 @!p0 $0xF7A, s2;
	p2 =	seq.s32 @!p0 s5, $0x0  }
0x1f: {  	s9 =	smul.u32 $0xF7A, s1;
	s8 =	simm.s32 @!p0 $0x1BF5;
	p2 =	por !p2, p0  }
0x20: {  	[sflag:s8] =	ssyncset.s32 @!p0 $0xFFFFF086;
	s6 =	sadd.s32 @!p0 s3, s7;
	s7 =	simm.s32 @!p0 $0x108  }
0x21: {  	s3 =	sadd.s32 s3, s9;
	s6 =	sadd.s32 @!p0 $0x88, s6;
	s7 =	simm.s32 @p2 $0x1082  }
0x22: {  	[simem:s7], [sflag:s8] =	dma.local @!p0 [hbm:s6], $0xF7A  }
0x23: {  	s9 =	sor.u32 $0xD0000000, s2;
	s6 =	simm.s32 $0x108;
	_ =	swait.ge @!p0 [sflag:s8], $0x0  }
0x24: {  	s3 =	sadd.s32 $0x88, s3;
	s6 =	simm.s32 @!p1 $0x1082;
	[sflag:s4] =	ssyncset.s32 $0xFFFFF086  }
0x25: {  	[simem:s6], [sflag:s4] =	dma.local [hbm:s3], $0xF7A  }
0x26: {  	[smem:$0x3F9D] =	sst s1;
	(tag) =	ssettag s2;
	_ =	strace s9  }
0x27: {  	s1 =	sld [smem:$0x3FAD]  }
0x28: {  	s2 =	sld [smem:$0x3FAE]  }
0x29: {  	s4 =	sld [smem:$0x3FB0]  }
0x2a: {  	p0 =	seq.s32 s5, $0x0;
	s5 =	sld [smem:$0x3FB1]  }
0x2b: {  	s6 =	sld [smem:$0x3FB2]  }
0x2c: {  	s7 =	sld [smem:$0x3FB3]  }
0x2d: {  	s3 =	simm.s32 $0x108;
	s8 =	sld [smem:$0x3FB4]  }
0x2e: {  	s3 =	simm.s32 @!p0 $0x1082;
	s9 =	sld [smem:$0x3FB5]  }
0x2f: {  	lr =	sadd.s32 s0, s3;
	s0 =	sld [smem:$0x3FAC]  }
0x30: {  	s3 =	sld [smem:$0x3FAF]  }
0x31: {  	[smem:$0x3FB8] =	sst s10  }
0x32: {  	s10 =	sld [smem:$0x3FB6];
	_ =	sdelay $0x3  }
0x33: {  	p0 =	seq.s32 s10, $0x1;
	s10 =	sld [smem:$0x3FB8];
	_ =	sdelay $0x3  }
0x34: {  	[smem:$0x3FB8] =	sst s10  }
0x35: {  	s10 =	sld [smem:$0x3FB7];
	_ =	sdelay $0x3  }
0x36: {  	p1 =	seq.s32 s10, $0x1;
	s10 =	sld [smem:$0x3FB8];
	_ =	sdelay $0x3  }
0x37: {  	[smem:$0x3FB8] =	sst s10  }
0x38: {  	s10 =	sld [smem:$0x3FB9]  }
0x39: {  	_ = 	snop;
	(pc) =	sbr.ind lr, $3  }
0x3a: {  	_ = 	snop  }
0x3b: {  	_ = 	snop  }
0x3c: {  	p2 =	seq.s32 s10, $0x1;
	s10 =	sld [smem:$0x3FB8]  }
0x3d: {  	_ =	shalt  }
0x3e: {  	_ =	shalt  }
0x3f: {  	_ =	shalt  }
0x40: {  	_ =	shalt  }
0x41: {  	_ =	shalt  }
0x42: {  	_ =	shalt  }
0x43: {  	_ =	shalt  }
0x44: {  	_ =	shalt  }
0x45: {  	_ =	shalt  }
0x46: {  	_ =	shalt  }
0x47: {  	_ =	shalt  }
0x48: {  	_ =	shalt  }
0x49: {  	_ =	shalt  }
0x4a: {  	_ =	shalt  }
0x4b: {  	_ =	shalt  }
0x4c: {  	_ =	shalt  }
0x4d: {  	_ =	shalt  }
0x4e: {  	_ =	shalt  }
0x4f: {  	_ =	shalt  }
0x50: {  	_ =	shalt  }
0x51: {  	_ =	shalt  }
0x52: {  	_ =	shalt  }
0x53: {  	_ =	shalt  }
0x54: {  	_ =	shalt  }
0x55: {  	_ =	shalt  }
0x56: {  	_ =	shalt  }
0x57: {  	_ =	shalt  }
0x58: {  	_ =	shalt  }
0x59: {  	_ =	shalt  }
0x5a: {  	_ =	shalt  }
0x5b: {  	_ =	shalt  }
0x5c: {  	_ =	shalt  }
0x5d: {  	_ =	shalt  }
0x5e: {  	_ =	shalt  }
0x5f: {  	_ =	shalt  }
0x60: {  	_ =	shalt  }
0x61: {  	_ =	shalt  }
0x62: {  	_ =	shalt  }
0x63: {  	_ =	shalt  }
0x64: {  	_ =	shalt  }
0x65: {  	_ =	shalt  }
0x66: {  	_ =	shalt  }
0x67: {  	_ =	shalt  }
0x68: {  	_ =	shalt  }
0x69: {  	_ =	shalt  }
0x6a: {  	_ =	shalt  }
0x6b: {  	_ =	shalt  }
0x6c: {  	_ =	shalt  }
0x6d: {  	_ =	shalt  }
0x6e: {  	_ =	shalt  }
0x6f: {  	_ =	shalt  }
0x70: {  	_ =	shalt  }
0x71: {  	_ =	shalt  }
0x72: {  	_ =	shalt  }
0x73: {  	_ =	shalt  }
0x74: {  	_ =	shalt  }
0x75: {  	_ =	shalt  }
0x76: {  	_ =	shalt  }
0x77: {  	_ =	shalt  }
0x78: {  	_ =	shalt  }
0x79: {  	_ =	shalt  }
0x7a: {  	_ =	shalt  }
0x7b: {  	_ =	shalt  }
0x7c: {  	_ =	shalt  }
0x7d: {  	_ =	shalt  }
0x7e: {  	_ =	shalt  }
0x7f: {  	_ =	shalt  }
0x80: {  	_ =	shalt  }
0x81: {  	_ =	shalt  }
0x82: {  	_ =	shalt  }
0x83: {  	_ =	shalt  }
0x84: {  	_ =	shalt  }
0x85: {  	_ =	shalt  }
0x86: {  	_ =	shalt  }
0x87: {  	_ =	shalt  }
.Lfunc_end0:
.L_simem_size_0:
called_computation_lowered:
.L_overlay_start_0:
0x88: {  	s2 =	sld [smem:$0x3FD9]  }
0x89: {  	s3 =	sld [smem:$0x3FFE];
	_ =	sdelay $0x1  }
0x8a: {  	s1 =	srdreg.scid  }
0x8b: {  	s0 =	sand.u32 $0x1, s1  }
0x8c: {  	s16 =	sshll.u32 s0, $0xA;
	s2 =	sadd.s32 s3, s2  }
0x8d: {  	s2 =	sadd.s32 s2, s16  }
0x8e: {  	[smem:$0x3FC4] =	sst s2  }
0x8f: {  	_ = 	snop  }
0x90: {  	(tm) =	ssettm $0x1  }
0x91: {  	s17 =	sld [smem:$0x3FFB];
	_ =	sdelay $0x3  }
0x92: {  	_ =	strace s17  }
0x93: {  	s2 =	sld [smem:$0x3FFC];
	_ =	sdelay $0x3  }
0x94: {  	_ =	strace s2  }
0x95: {  	s2 =	sld [smem:$0x3FFD];
	_ =	sdelay $0x3  }
0x96: {  	_ =	strace s2  }
0x97: {  	_ =	strace $0x8FFFFFFF  }
0x98: {  	s18 =	sld [smem:$0x3FDB];
	_ =	sdelay $0x1  }
0x99: {  	s19 =	simm.s32 $_scs_section_size  }
0x9a: {  	s4 =	simm.s32 $_size__tile_overlayer_lowered;
	s5 =	simm.s32 $_tile_overlayer_lowered  }
0x9b: {  	s22 =	simm.s32 $0x1BFF;
	s21 =	sshll.u32 s5, $0x1;
	s2 =	sadd.s32 s19, s18  }
0x9c: {  	s6 =	simm.s32 $0x0;
	s20 =	sshll.u32 s4, $0x1;
	s4 =	sadd.s32 s21, s2  }
0x9d: {  	[timem:s6], [sflag:s22] =	dma.local [hbm:s4], s20  }
0x9e: {  	_ =	swait.ge [sflag:s22], s20  }
0x9f: {  	s3 =	ssub.s32 $0x0, s20;
	[sflag:s22] =	ssyncset.done $0x0  }
0xa0: {  	[sflag:s22] =	ssyncadd.s32 s3;
	_ =	sdelay $0x1  }
0xa1: {  	s23 =	simm.s32 $0x1B8B  }
0xa2: {  	_ =	swait.ge [sflag:s23], $0x1  }
0xa3: {  	[sflag:s23] =	ssyncset.done $0x0  }
0xa4: {  	s25 =	simm.s32 $0x1B8E;
	s24 =	sld [smem:$0x3FFE];
	[sflag:s23] =	ssyncadd.s32 $0xFFFFFFFF  }
0xa5: {  	s26 =	simm.s32 $execute0_lowered;
	[smem:$0x3FD2] =	sst s25  }
0xa6: {  	s4 =	sshll.u32 s26, $0x1;
	_ =	strace $0x80000046;
	[dreg:$0x1] =	wrdreg $0xFFFFFFFF  }
0xa7: {  	s28 =	simm.s32 $_size_execute0_lowered;
	s2 =	sadd.s32 s2, s4;
	[dreg:$0x0] =	wrdreg $0x0  }
0xa8: {  	s4 =	sshll.u32 s28, $0x1;
	[dreg:$0x2] =	wrdreg s2  }
0xa9: {  	[dreg:$0x3] =	wrdreg s4  }
0xaa: {  	[dreg:$0x4] =	wrdreg $0xC0  }
0xab: {  	_ =	task [dreg:s6], $0x5FFFF  }
0xac: {  	[dreg:$0x1] =	wrdreg $0xFFFFFFFF  }
0xad: {  	[dreg:$0x0] =	wrdreg $0x60  }
0xae: {  	[dreg:$0x2] =	wrdreg s24  }
0xaf: {  	[dreg:$0x3] =	wrdreg $0x0  }
0xb0: {  	[dreg:$0x4] =	wrdreg $0x9  }
0xb1: {  	_ =	task.clear_ibuf [dreg:s6], $0x5FFFF;
	_ =	strace $0x90000046  }
0xb2: {  	s29 =	simm.s32 $0x9;
	_ =	strace $0x80000048  }
0xb3: {  	_ =	swait.ge [sflag:s29], $0x1  }
0xb4: {  	[sflag:s29] =	ssyncadd.s32 $0xFFFFFFFF  }
0xb5: {  	_ =	strace $0x90000048  }
0xb6: {  	_ =	sfence  }
0xb7: {  	s30 =	sld [smem:$0x0];
	_ =	sdelay $0x2  }
0xb8: {  	s31 =	sshll.u32 s1, $0xD;
	s1 =	sshrl.u32 s1, $0x2  }
0xb9: {  	s3 =	sand.u32 $0x4000, s31;
	s1 =	sadd.s32 s1, s30  }
0xba: {  	s0 =	sor.u32 s3, s0;
	s1 =	sshll.u32 s1, $0x11  }
0xbb: {  	s0 =	sor.u32 s1, s0  }
0xbc: {  	s0 =	sadd.s32 $0x8F2B, s0  }
0xbd: {  	[sflag:s0] =	ssyncadd.remote.s32 $0x1  }
0xbe: {  	_ =	sfence.sel $0xFFFF  }
0xbf: {  	[dreg:$0x0] =	wrdreg $0xFFFFFFFF;
	(pc) =	sbr.abs _section_cstart, $3  }
0xc0: {  	[dreg:$0x1] =	wrdreg $0xFFFFFFFF  }
0xc1: {  	_ =	task.clear_ibuf [dreg:s6], $0x2FFFF;
	_ =	strace $0x9FFFFFFF  }
0xc2: {  	(tm) =	ssettm $0x7FFFFFFF  }
0xc3: {  	_ =	shalt  }
tec
execute0_lowered:
.L_overlay_start_1:
0x0: {  	(tag) =	ssettag $0x1  }
0x1: {  	s5 =	rddreg [dreg:$0x0];
	s1 =	srdreg.scid  }
0x2: {  	s0 =	stileid.u32;
	s2 =	rddreg [dreg:$0x1];
	s15 =	simm.s32 $0x1B380  }
0x3: {  	s16 =	simm.s32 $0x3;
	s17 =	simm.s32 $0x13C00;
	s18 =	simm.s32 $0x16400  }
0x4: {  	s19 =	simm.s32 $0x80;
	s20 =	simm.s32 $0x400;
	s21 =	simm.s32 $0x18C00  }
0x5: {  	s22 =	simm.s32 $0x1;
	s23 =	simm.s32 $0x2;
	s26 =	smul.u32 $0x13C00, s0  }
0x6: {  	s6 =	sand.u32 $0x1, s1;
	s8 =	sshrl.u32 s0, $0x2;
	s29 =	smul.u32 $0x4F000, s0  }
0x7: {  	s3 =	sshll.u32 s0, $0x1;
	s1 =	rddreg [dreg:$0x2];
	s8 =	smul.u32 $0x13C00, s8  }
0x8: {  	s4 =	sor.u32 s6, s3;
	s3 =	simm.s32 $0x0;
	s10 =	smul.u32 $0x13C000, s6  }
0x9: {  	s6 =	ssub.s32 $0x2, s6;
	s7 =	smul.u32 $0x500, s4;
	[smem:$0x7FF] =	sst s3  }
0xa: {  	s4 =	sshll.u32 s4, $0x7;
	s31 =	sshrl.u32 s6, $0x1;
	_ =	strace $0x80000047  }
0xb: {  	s9 =	sand.u32 $0x380, s4;
	s4 =	sadd.s32 $0x15E00, s5;
	s30 =	sadd.s32 s26, s10  }
0xc: {  	s14 =	ssub.s32 s6, s31;
	s8 =	sor.u32 s8, s9;
	s11 =	sadd.s32 s7, s5  }
0xd: {  	s7 =	sshrl.u32 s30, $0x3;
	s14 =	smax.u32 s14, $0x1;
	s28 =	sshrl.u32 s8, $0x3  }
0xe: {  	s8 =	sshrl.u32 s29, $0x2;
	s13 =	sadd.s32 s7, s5;
	s10 =	sadd.s32 $0xBE00, s11  }
0xf: {  	s11 =	sadd.s32 $0x1E00, s11;
	s12 =	sadd.s32 s28, s5;
	s5 =	sadd.s32 s8, s2  }
0x10: {  	s13 =	sadd.s32 $0x47400, s13;
	s6 =	sadd.s32 $0x4000, s5;
	s7 =	sadd.s32 $0x8000, s5  }
0x11: {  	v0 =	vimm.f32 $0.0e+00;
	s8 =	sadd.s32 $0xC000, s5;
	s9 =	sadd.s32 $0x10000, s5;
	s12 =	sadd.s32 $0x3D600, s12  }
.LBB2_1:
0x12: {  	s24 =	simm.s32 $0x0;
	s25 =	simm.s32 $0x200  }
.LBB2_2:
0x13: {  	p0 =	sne.s32 s25, $0xFE00;
	[tilespmem:s24+$0x1B3F0] =	vst v0  }
0x14: {  	[tilespmem:s24+$0x1B380] =	vst v0  }
0x15: {  	[tilespmem:s24+$0x1B390] =	vst v0  }
.Ltmp0:
0x16: {  	[tilespmem:s24+$0x1B3A0] =	vst v0;
	(pc) =	sbr.rel @p0 .LBB2_2-.Ltmp0, $4  }
0x17: {  	[tilespmem:s24+$0x1B3B0] =	vst v0  }
0x18: {  	[tilespmem:s24+$0x1B3C0] =	vst v0  }
0x19: {  	[tilespmem:s24+$0x1B3D0] =	vst v0  }
0x1a: {  	[tilespmem:s24+$0x1B3E0] =	vst v0;
	s24 =	sshra.s32 s25, $0x2;
	s25 =	sadd.s32 $0x200, s25  }
0x1b: {  	[tilespmem:s24+$0x1B3F0] =	vst v0  }
0x1c: {  	[tilespmem:s24+$0x1B380] =	vst v0  }
0x1d: {  	[tilespmem:s24+$0x1B390] =	vst v0  }
0x1e: {  	[tilespmem:s24+$0x1B3A0] =	vst v0  }
0x1f: {  	[tilespmem:s24+$0x1B3B0] =	vst v0  }
0x20: {  	[tilespmem:s24+$0x1B3C0] =	vst v0  }
0x21: {  	[tilespmem:s24+$0x1B3D0] =	vst v0  }
0x22: {  	[tilespmem:s24+$0x1B3E0] =	vst v0  }
0x23: {  	[spmem:s5] =	stream.linear.scatter [tilespmem:s15], [sflag:$0x3], $0x4000, $0x38;
	[tilespmem:$0x1F380] =	vst v63  }
0x24: {  	_ =	swait.ge [sflag:s16], $0x4000  }
0x25: {  	[sflag:s16] =	ssyncset.done $0x0  }
0x26: {  	[sflag:s16] =	ssyncadd.s32 $0xFFFFC000  }
0x27: {  	[spmem:s6] =	stream.linear.scatter [tilespmem:s15], [sflag:$0x3], $0x4000, $0x38;
	[tilespmem:$0x1F380] =	vst v63  }
0x28: {  	_ =	swait.ge [sflag:s16], $0x4000  }
0x29: {  	[sflag:s16] =	ssyncset.done $0x0  }
0x2a: {  	[sflag:s16] =	ssyncadd.s32 $0xFFFFC000  }
0x2b: {  	[spmem:s7] =	stream.linear.scatter [tilespmem:s15], [sflag:$0x3], $0x4000, $0x38;
	[tilespmem:$0x1F380] =	vst v63  }
0x2c: {  	_ =	swait.ge [sflag:s16], $0x4000  }
0x2d: {  	[sflag:s16] =	ssyncset.done $0x0  }
0x2e: {  	[sflag:s16] =	ssyncadd.s32 $0xFFFFC000  }
0x2f: {  	[spmem:s8] =	stream.linear.scatter [tilespmem:s15], [sflag:$0x3], $0x4000, $0x38;
	[tilespmem:$0x1F380] =	vst v63  }
0x30: {  	_ =	swait.ge [sflag:s16], $0x4000  }
0x31: {  	[sflag:s16] =	ssyncset.done $0x0  }
0x32: {  	[sflag:s16] =	ssyncadd.s32 $0xFFFFC000  }
0x33: {  	[spmem:s9] =	stream.linear.scatter [tilespmem:s15], [sflag:$0x3], $0x3C00, $0x38;
	[tilespmem:$0x1F380] =	vst v63  }
0x34: {  	_ =	swait.ge [sflag:s16], $0x3C00  }
0x35: {  	[sflag:s16] =	ssyncset.done $0x0  }
0x36: {  	[sflag:s16] =	ssyncadd.s32 $0xFFFFC400  }
0x37: {  	s24 =	simm.s32 $0x0;
	[bflag:$0x0] =	sbarrier.arrive $0xFFFF  }
0x38: {  	[tilespmem:s17], [sflag:$0x3] =	stream.linear.gather [hbm4b:s10+s24], $0x2780, $0x38;
	[tilespmem:$0x1F380] =	vst v63  }
0x39: {  	_ =	swait.ge [sflag:s16], $0x2780  }
0x3a: {  	[sflag:s16] =	ssyncset.done $0x0  }
0x3b: {  	[sflag:s16] =	ssyncadd.s32 $0xFFFFD880  }
0x3c: {  	[tilespmem:s18], [sflag:$0x3] =	stream.linear.gather [hbm4b:s11+s24], $0x2780, $0x38;
	[tilespmem:$0x1F380] =	vst v63  }
0x3d: {  	_ =	swait.ge [sflag:s16], $0x2780  }
0x3e: {  	[sflag:s16] =	ssyncset.done $0x0  }
0x3f: {  	[sflag:s16] =	ssyncadd.s32 $0xFFFFD880  }
0x40: {  	[tilespmem:s21], [sflag:$0x3] =	stream.strided.gather [hbm4b:s12+s19], $0x2780, s20, s19, $0x38;
	[tilespmem:$0x1F380] =	vst v63  }
0x41: {  	_ =	swait.ge [sflag:s16], $0x2780  }
0x42: {  	[sflag:s16] =	ssyncset.done $0x0  }
0x43: {  	[sflag:s16] =	ssyncadd.s32 $0xFFFFD880  }
.LBB2_4:
0x44: {  	s25 =	sshll.u32 s24, $0x7  }
0x45: {  	s26 =	sadd.s32 $0x13C00, s25  }
0x46: {  	v1 =	vmov s25;
	[tilespmem:s15], [sflag:$0x1] =	stream.indirect.gather [hbm4b:s4+s19], $0x80, s26, s19, $0xb8;
	[tilespmem:$0x1F380] =	vst v63  }
0x47: {  	_ =	swait.ge [sflag:s22], $0x4000  }
0x48: {  	[sflag:s22] =	ssyncset.done $0x0  }
0x49: {  	s26 =	simm.s32 $0x1B400;
	[sflag:s22] =	ssyncadd.s32 $0xFFFFC000  }
0x4a: {  	v3 =	vld [tilespmem:s26+$0xFFFFFFF0]  }
0x4b: {  	v6 =	vld.idx.msk [tilespmem:v1+s21+$0x0], $0xffff  }
0x4c: {  	v7 =	vld [tilespmem:s26+$0xFFFFFF80]  }
0x4d: {  	v8 =	vld [tilespmem:s26+$0xFFFFFFA0]  }
0x4e: {  	v5 =	vld [tilespmem:s26+$0xFFFFFFB0]  }
0x4f: {  	v4 =	vld [tilespmem:s26+$0xFFFFFFD0]  }
0x50: {  	v9 =	vld [tilespmem:s26+$0xFFFFFFE0];
	v12 =	vmul.f32 v3, v6  }
0x51: {  	v10 =	vld [tilespmem:s26+$0xFFFFFF90];
	v7 =	vmul.f32 v7, v6  }
0x52: {  	v11 =	vld [tilespmem:s26+$0xFFFFFFC0];
	v8 =	vmul.f32 v8, v6;
	[tilespmem:s26+$0xFFFFFFF0] =	vst v12  }
0x53: {  	v5 =	vmul.f32 v5, v6;
	[tilespmem:s26+$0xFFFFFF80] =	vst v7  }
0x54: {  	v4 =	vmul.f32 v4, v6;
	[tilespmem:s26+$0xFFFFFFA0] =	vst v8  }
0x55: {  	v7 =	vmul.f32 v9, v6;
	[tilespmem:s26+$0xFFFFFFB0] =	vst v5;
	v8 =	vor.u32 $0x1, v1  }
0x56: {  	v2 =	vld [tilespmem:s26+$0x0];
	v5 =	vmul.f32 v10, v6;
	[tilespmem:s26+$0xFFFFFFD0] =	vst v4  }
0x57: {  	v3 =	vld [tilespmem:s26+$0x10];
	v4 =	vmul.f32 v11, v6;
	[tilespmem:s26+$0xFFFFFFE0] =	vst v7  }
0x58: {  	v6 =	vld [tilespmem:s26+$0x20];
	[tilespmem:s26+$0xFFFFFF90] =	vst v5  }
0x59: {  	[tilespmem:s26+$0xFFFFFFC0] =	vst v4;
	v5 =	vld [tilespmem:s26+$0x70]  }
0x5a: {  	s28 =	simm.s32 $0x0;
	s29 =	simm.s32 $0x1B400;
	v4 =	vld.idx.msk [tilespmem:v8+s21+$0x0], $0xffff  }
.LBB2_5:
0x5b: {  	s28 =	sadd.s32 $0x2, s28;
	v7 =	vld [tilespmem:s26+$0x50];
	v1 =	vadd.s32 $0x2, v1;
	s29 =	sadd.s32 $0x100, s29  }
0x5c: {  	p0 =	slt.u32 s28, $0x7E;
	v8 =	vld [tilespmem:s26+$0x30]  }
0x5d: {  	v9 =	vld [tilespmem:s26+$0x40]  }
0x5e: {  	v10 =	vld [tilespmem:s26+$0x60];
	_ =	sdelay $0x1  }
0x5f: {  	v2 =	vmul.f32 v2, v4;
	v3 =	vmul.f32 v3, v4  }
0x60: {  	v6 =	vmul.f32 v6, v4;
	v8 =	vmul.f32 v8, v4  }
0x61: {  	v7 =	vmul.f32 v7, v4;
	[tilespmem:s26+$0x0] =	vst v2;
	v9 =	vmul.f32 v9, v4  }
0x62: {  	v2 =	vld [tilespmem:s29+$0x0];
	[tilespmem:s26+$0x20] =	vst v6;
	v6 =	vmul.f32 v10, v4;
	v4 =	vmul.f32 v5, v4  }
0x63: {  	[tilespmem:s26+$0x10] =	vst v3  }
0x64: {  	[tilespmem:s26+$0x30] =	vst v8  }
0x65: {  	v5 =	vld [tilespmem:s29+$0xFFFFFFD0];
	[tilespmem:s26+$0x70] =	vst v4  }
0x66: {  	v4 =	vld [tilespmem:s29+$0xFFFFFFB0];
	[tilespmem:s26+$0x50] =	vst v7  }
0x67: {  	v7 =	vld [tilespmem:s29+$0xFFFFFFE0];
	[tilespmem:s26+$0x60] =	vst v6  }
0x68: {  	v6 =	vld [tilespmem:s29+$0xFFFFFFF0];
	[tilespmem:s26+$0x40] =	vst v9;
	s26 =	smov.u32 s29  }
0x69: {  	v8 =	vld.idx.msk [tilespmem:v1+s21+$0x0], $0xffff  }
0x6a: {  	v9 =	vld [tilespmem:s29+$0xFFFFFF80]  }
0x6b: {  	v10 =	vld [tilespmem:s29+$0xFFFFFFA0]  }
0x6c: {  	v11 =	vld [tilespmem:s29+$0xFFFFFF90]  }
0x6d: {  	v12 =	vld [tilespmem:s29+$0xFFFFFFC0]  }
0x6e: {  	v3 =	vld [tilespmem:s29+$0x10]  }
0x6f: {  	v6 =	vmul.f32 v6, v8;
	v9 =	vmul.f32 v9, v8  }
0x70: {  	v7 =	vmul.f32 v7, v8;
	v10 =	vmul.f32 v10, v8  }
0x71: {  	v4 =	vmul.f32 v4, v8;
	v11 =	vmul.f32 v11, v8;
	[tilespmem:s29+$0xFFFFFFF0] =	vst v6  }
0x72: {  	v5 =	vmul.f32 v5, v8;
	[tilespmem:s29+$0xFFFFFF80] =	vst v9;
	v9 =	vmul.f32 v12, v8  }
0x73: {  	[tilespmem:s29+$0xFFFFFFA0] =	vst v10  }
0x74: {  	[tilespmem:s29+$0xFFFFFFB0] =	vst v4;
	v4 =	vor.u32 $0x1, v1  }
.Ltmp1:
0x75: {  	[tilespmem:s29+$0xFFFFFFD0] =	vst v5;
	(pc) =	sbr.rel @p0 .LBB2_5-.Ltmp1, $4  }
0x76: {  	[tilespmem:s29+$0xFFFFFFE0] =	vst v7  }
0x77: {  	[tilespmem:s29+$0xFFFFFF90] =	vst v11;
	v6 =	vld [tilespmem:s29+$0x20]  }
0x78: {  	[tilespmem:s29+$0xFFFFFFC0] =	vst v9;
	v5 =	vld [tilespmem:s29+$0x70]  }
0x79: {  	v4 =	vld.idx.msk [tilespmem:v4+s21+$0x0], $0xffff  }
0x7a: {  	_ =	sdelay $0x1  }
0x7b: {  	v1 =	vld [tilespmem:s26+$0x30];
	_ =	sdelay $0x1  }
0x7c: {  	v7 =	vld [tilespmem:s26+$0x50];
	v2 =	vmul.f32 v2, v4  }
0x7d: {  	v8 =	vld [tilespmem:s26+$0x60];
	v6 =	vmul.f32 v6, v4  }
0x7e: {  	v9 =	vld [tilespmem:s26+$0x40];
	v3 =	vmul.f32 v3, v4;
	[tilespmem:s26+$0x0] =	vst v2  }
0x7f: {  	v1 =	vmul.f32 v1, v4;
	[tilespmem:s26+$0x20] =	vst v6  }
0x80: {  	v2 =	vmul.f32 v5, v4;
	[tilespmem:s26+$0x10] =	vst v3  }
0x81: {  	v3 =	vmul.f32 v7, v4;
	[tilespmem:s26+$0x30] =	vst v1  }
0x82: {  	v1 =	vmul.f32 v8, v4;
	[tilespmem:s26+$0x70] =	vst v2  }
0x83: {  	s24 =	sadd.s32 $0x1, s24;
	v2 =	vmul.f32 v9, v4;
	[tilespmem:s26+$0x50] =	vst v3  }
0x84: {  	p0 =	sne.s32 s24, $0x4F;
	[tilespmem:s26+$0x60] =	vst v1  }
.Ltmp2:
0x85: {  	s25 =	sadd.s32 $0x16400, s25;
	[tilespmem:s26+$0x40] =	vst v2;
	(pc) =	sbr.rel @p0 .LBB2_4-.Ltmp2, $4  }
0x86: {  	[spmem:s2] =	stream.indirect.scatter.add.f32 [tilespmem:s15], [sflag:$0x2], $0x80, s25, s19, $0xb8;
	[tilespmem:$0x1F380] =	vst v63  }
0x87: {  	_ =	swait.ge [sflag:s23], $0x4000  }
0x88: {  	[sflag:s23] =	ssyncset.done $0x0  }
0x89: {  	[sflag:s23] =	ssyncadd.s32 $0xFFFFC000  }
0x8a: {  	s3 =	sadd.s32 $0x1, s3  }
0x8b: {  	s24 =	sshll.u32 s0, $0x6;
	[bflag:$0x0] =	sbarrier.arrive $0xFFFF;
	p0 =	sne.s32 s3, s14  }
.Ltmp3:
0x8c: {  	s25 =	sshrl.u32 s5, $0x3;
	s24 =	sor.u32 $0x1C03, s24;
	(pc) =	sbr.rel @p0 .LBB2_1-.Ltmp3, $4  }
0x8d: {  	[hbm:s13], [sflag:s24] =	dma.local [spmem:s25], $0x2780  }
0x8e: {  	_ =	swait.ge [sflag:s16], $0x2780  }
0x8f: {  	[sflag:s16] =	ssyncset.done $0x0  }
0x90: {  	[sflag:s16] =	ssyncadd.s32 $0xFFFFD880  }
0x91: {  	_ =	sfence.sel $0x180000  }
0x92: {  	[bflag:$0x0] =	sbarrier.arrive $0xFFFF  }
0x93: {  	p0 =	sne.s32 s0, $0x0;
	_ =	strace $0x90000047  }
0x94: {  	s0 =	sadd.s32 @!p0 $0x100000, s1;
	[bflag:$0x2] =	sbarrier.arrive $0xFFFF  }
0x95: {  	[sflag:s0] =	ssyncadd.tile.s32 @!p0 $0x1;
	_ =	shalt  }
.Lfunc_end2:
_tile_overlayer_lowered:
.L_overlay_start_2:
0x96: {  	(tag) =	ssettag $0x2  }
0x97: {  	s0 =	rddreg [dreg:$0x0];
	s2 =	stileid.u32  }
0x98: {  	s1 =	rddreg [dreg:$0x1];
	p0 =	sne.s32 s2, $0x0  }
0x99: {  	s3 =	rddreg [dreg:$0x2];
	[bflag:$0x3] =	sbarrier.arrive $0xFFFF;
	s2 =	simm.s32 @!p0 $0x1C03  }
0x9a: {  	[timem:s3], [sflag:s2] =	dma.local @!p0 [hbm:s0], s1  }
0x9b: {  	s0 =	simm.s32 @!p0 $0x3  }
0x9c: {  	_ =	swait.ge @!p0 [sflag:s0], s1  }
0x9d: {  	s1 =	ssub.s32 @!p0 $0x0, s1;
	[sflag:s0] =	ssyncset.done @!p0 $0x0  }
0x9e: {  	[sflag:s0] =	ssyncadd.s32 @!p0 s1  }
0x9f: {  	[bflag:$0x3] =	sbarrier.arrive $0xFFFF  }
0xa0: {  	_ =	shalt  }

</sc_bundles>
